<compile_context>
chip_gen: v7x
topology: tpu7x:2x2x1
jax: 0.10.2.dev20260603
libtpu: 0.0.44.dev20260713+nightly
codegen_flags: <defaults>
</compile_context>

<pallas_src>
import functools

import jax
import jax.numpy as jnp
from jax import lax
from jax.experimental import pallas as pl
from jax.experimental.pallas import tpu as pltpu
from jax.experimental.pallas import tpu_sc as plsc

_NUM_EMB = 1001
_EMB_DIM = 64
_BATCH = 16384

_INFO = plsc.get_sparse_core_info()
_NC = _INFO.num_cores
_NS = _INFO.num_subcores
_NW = _NC * _NS
_L = _INFO.num_lanes

_NDIMG = 8
_NBATG = _NW // _NDIMG
_ROWS = _EMB_DIM // _NDIMG
_BCOLS = _BATCH // _NBATG
_TPAD = 1008
_NTILES = _BCOLS // 128

_mesh = plsc.VectorSubcoreMesh(core_axis_name="c", subcore_axis_name="s")


@functools.partial(
    pl.kernel,
    mesh=_mesh,
    out_type=jax.ShapeDtypeStruct((_EMB_DIM, _BATCH), jnp.float32),
    scratch_types=[
        pltpu.VMEM((_ROWS * _TPAD,), jnp.float32),
        pltpu.VMEM((_BCOLS,), jnp.int32),
        pltpu.VMEM((_ROWS, 128), jnp.float32),
        pltpu.VMEM((_ROWS, 128), jnp.float32),
        pltpu.VMEM((_ROWS, 128), jnp.float32),
        pltpu.VMEM((_ROWS, 128), jnp.float32),
        pltpu.SemaphoreType.DMA,
        pltpu.SemaphoreType.DMA,
        pltpu.SemaphoreType.DMA,
        pltpu.SemaphoreType.DMA,
    ],
    compiler_params=pltpu.CompilerParams(
        use_tc_tiling_on_sc=True, needs_layout_passes=False
    ),
)
def _sc_gather_t(
    idx_hbm, tflat_hbm, out_hbm, tv, iv,
    tile_a, tile_b, tile_c, tile_d, sem_a, sem_b, sem_c, sem_d,
):
    wid = lax.axis_index("s") * _NC + lax.axis_index("c")
    g = wid % _NDIMG
    b = wid // _NDIMG
    st = pltpu.async_copy(
        tflat_hbm.at[pl.ds(g * _ROWS * _TPAD, _ROWS * _TPAD)], tv, sem_a
    )
    si = pltpu.async_copy(idx_hbm.at[pl.ds(b * _BCOLS, _BCOLS)], iv, sem_b)
    st.wait()
    si.wait()

    def build(tile, t):
        @plsc.parallel_loop(0, 128 // _L, unroll=128 // _L)
        def _(c):
            ivec = iv[pl.ds(t * 128 + c * _L, _L)]
            addrs = [ivec] + [ivec + d * _TPAD for d in range(1, _ROWS)]
            vals = [plsc.load_gather(tv, [a]) for a in addrs]
            for d in range(_ROWS):
                tile[d, pl.ds(c * _L, _L)] = vals[d]

    def out_slice(t):
        return out_hbm.at[pl.ds(g * _ROWS, _ROWS), pl.ds(b * _BCOLS + t * 128, 128)]

    build(tile_a, 0)
    build(tile_b, 1)

    def body(i, carry):
        t0 = 4 * i
        wa = pltpu.async_copy(tile_a, out_slice(t0), sem_a)
        wb = pltpu.async_copy(tile_b, out_slice(t0 + 1), sem_b)
        build(tile_c, t0 + 2)
        build(tile_d, t0 + 3)
        wa.wait()
        wb.wait()
        wc = pltpu.async_copy(tile_c, out_slice(t0 + 2), sem_c)
        wd = pltpu.async_copy(tile_d, out_slice(t0 + 3), sem_d)

        @pl.when(i < _NTILES // 4 - 1)
        def _():
            build(tile_a, t0 + 4)
            build(tile_b, t0 + 5)

        wc.wait()
        wd.wait()
        return carry

    lax.fori_loop(0, _NTILES // 4, body, jnp.int32(0))


def kernel(user_ids, table):
    tflat = jnp.pad(table.T, ((0, 0), (0, _TPAD - _NUM_EMB))).reshape(-1)
    out_t = _sc_gather_t(user_ids, tflat)
    return jnp.transpose(out_t)

# --- scband reference (transcript-rebuilt; emitter-appended) ---
"""Pipeline reference for scband-string-embedding-29051158790450 (READ-ONLY COPY).

The authoritative reference and input builder live on the scoring server;
editing this copy changes nothing except your own understanding.
"""

import jax, jax.numpy as jnp
import numpy as np

NUM_EMB = 1001  # len(user_id_list) + 1 for <UNK>
EMB_DIM = 64
BATCH = 16384


def setup_inputs(seed: int = 0) -> dict:
    key = jax.random.key(seed)
    k1, k2 = jax.random.split(key)
    # integer indices standing in for already-looked-up string ids; values in [0, NUM_EMB)
    user_ids = jax.random.randint(k1, (BATCH,), 0, NUM_EMB, dtype=jnp.int32)
    # embedding table, matches nn.Embedding(NUM_EMB, EMB_DIM) init scale (N(0,1))
    table = jax.random.normal(k2, (NUM_EMB, EMB_DIM), dtype=jnp.float32)
    return {"user_ids": user_ids, "table": table}


def reference(user_ids, table):
    # StringLookup maps strings -> int ids (constant preprocessing);
    # the numerical forward is a plain embedding gather: table[idx]
    return jnp.take(table, user_ids, axis=0)

if __name__ == "__main__":
    import jax
    _d = setup_inputs()
    print(jax.jit(kernel)(*tuple(_d.values())))

</pallas_src>

<mosaic_0001>
#map = affine_map<(d0, d1) -> (0)>
#map1 = affine_map<(d0, d1) -> (0, 0)>
module attributes {stable_mosaic.version = 14 : i64} {
  func.func @_sc_gather_t(%arg0: i32, %arg1: i32, %arg2: memref<16384xi32, #tpu.memory_space<hbm>>, %arg3: memref<64512xf32, #tpu.memory_space<hbm>>, %arg4: memref<64x16384xf32, #tpu.memory_space<hbm>>, %arg5: memref<8064xf32, #tpu.memory_space<vmem>>, %arg6: memref<4096xi32, #tpu.memory_space<vmem>>, %arg7: memref<8x128xf32, #tpu.memory_space<vmem>>, %arg8: memref<8x128xf32, #tpu.memory_space<vmem>>, %arg9: memref<8x128xf32, #tpu.memory_space<vmem>>, %arg10: memref<8x128xf32, #tpu.memory_space<vmem>>, %arg11: memref<!tpu.dma_semaphore, #tpu.memory_space<semaphore_mem>>, %arg12: memref<!tpu.dma_semaphore, #tpu.memory_space<semaphore_mem>>, %arg13: memref<!tpu.dma_semaphore, #tpu.memory_space<semaphore_mem>>, %arg14: memref<!tpu.dma_semaphore, #tpu.memory_space<semaphore_mem>>) attributes {dimension_semantics = [#tpu.dimension_semantics<core_parallel>, #tpu.dimension_semantics<subcore_parallel>], iteration_bounds = array<i64: 2, 16>, scalar_prefetch = 0 : i64, scratch_operands = 10 : i64, tpu.core_type = #tpu.core_type<sc_vector_subcore>, window_params = [{transform_indices = #map}, {transform_indices = #map}, {transform_indices = #map1}]} {
    %mul3A = arith.constant 2 : i32
    %mul3A_0 = arith.muli %arg1, %mul3A : i32
    %add3A = arith.addi %mul3A_0, %arg0 : i32
    %jit3A = arith.constant 8 : i32
    %eq3A = arith.constant 0 : i32
    %eq3A_1 = arith.cmpi eq, %jit3A, %eq3A : i32
    %jit3A_2 = arith.constant 1 : i32
    %select_n3A = arith.select %eq3A_1, %jit3A_2, %jit3A : i32
    %rem3A = arith.remsi %add3A, %select_n3A : i32
    %ne3A = arith.constant 0 : i32
    %ne3A_3 = arith.cmpi ne, %rem3A, %ne3A : i32
    %lt3A = arith.constant 0 : i32
    %lt3A_4 = arith.cmpi slt, %rem3A, %lt3A : i32
    %lt3A_5 = arith.constant 0 : i32
    %lt3A_6 = arith.cmpi slt, %select_n3A, %lt3A_5 : i32
    %ne3A_7 = arith.xori %lt3A_4, %lt3A_6 : i1
    %and3A = arith.andi %ne3A_7, %ne3A_3 : i1
    %add3A_8 = arith.addi %rem3A, %select_n3A : i32
    %select_n3A_9 = arith.select %and3A, %add3A_8, %rem3A : i32
    %jit3A_10 = arith.constant 8 : i32
    %div3A = arith.divsi %add3A, %jit3A_10 : i32
    %sign3A = arith.constant 0 : i32
    %sign3A_11 = arith.cmpi sgt, %add3A, %sign3A : i32
    %sign3A_12 = arith.extui %sign3A_11 : i1 to i32
    %sign3A_13 = arith.constant 0 : i32
    %sign3A_14 = arith.cmpi slt, %add3A, %sign3A_13 : i32
    %sign3A_15 = arith.extui %sign3A_14 : i1 to i32
    %sign3A_16 = arith.subi %sign3A_12, %sign3A_15 : i32
    %sign3A_17 = arith.constant 0 : i32
    %sign3A_18 = arith.cmpi sgt, %jit3A_10, %sign3A_17 : i32
    %sign3A_19 = arith.extui %sign3A_18 : i1 to i32
    %sign3A_20 = arith.constant 0 : i32
    %sign3A_21 = arith.cmpi slt, %jit3A_10, %sign3A_20 : i32
    %sign3A_22 = arith.extui %sign3A_21 : i1 to i32
    %sign3A_23 = arith.subi %sign3A_19, %sign3A_22 : i32
    %ne3A_24 = arith.cmpi ne, %sign3A_16, %sign3A_23 : i32
    %rem3A_25 = arith.remsi %add3A, %jit3A_10 : i32
    %ne3A_26 = arith.constant 0 : i32
    %ne3A_27 = arith.cmpi ne, %rem3A_25, %ne3A_26 : i32
    %and3A_28 = arith.andi %ne3A_24, %ne3A_27 : i1
    %sub3A = arith.constant 1 : i32
    %sub3A_29 = arith.subi %div3A, %sub3A : i32
    %select_n3A_30 = arith.select %and3A_28, %sub3A_29, %div3A : i32
    %mul3A_31 = arith.constant 8 : i32
    %mul3A_32 = arith.muli %select_n3A_9, %mul3A_31 : i32
    %mul3A_33 = arith.constant 1008 : i32
    %mul3A_34 = arith.muli %mul3A_32, %mul3A_33 : i32
    %dma_start3A = tpu.memref_slice %arg3[%mul3A_34] : memref<64512xf32, #tpu.memory_space<hbm>> -> memref<8064xf32, #tpu.memory_space<hbm>>
    %dma_start3A_35 = tpu.memref_slice %arg3[%mul3A_34] : memref<64512xf32, #tpu.memory_space<hbm>> -> memref<8064xf32, #tpu.memory_space<hbm>>
    tpu.enqueue_dma source(%dma_start3A_35 : memref<8064xf32, #tpu.memory_space<hbm>>) target(%arg5 : memref<8064xf32, #tpu.memory_space<vmem>>) target_semaphore(%arg11 : memref<!tpu.dma_semaphore, #tpu.memory_space<semaphore_mem>>)
    %mul3A_36 = arith.constant 4096 : i32
    %mul3A_37 = arith.muli %select_n3A_30, %mul3A_36 : i32
    %dma_start3A_38 = tpu.memref_slice %arg2[%mul3A_37] : memref<16384xi32, #tpu.memory_space<hbm>> -> memref<4096xi32, #tpu.memory_space<hbm>>
    %dma_start3A_39 = tpu.memref_slice %arg2[%mul3A_37] : memref<16384xi32, #tpu.memory_space<hbm>> -> memref<4096xi32, #tpu.memory_space<hbm>>
    tpu.enqueue_dma source(%dma_start3A_39 : memref<4096xi32, #tpu.memory_space<hbm>>) target(%arg6 : memref<4096xi32, #tpu.memory_space<vmem>>) target_semaphore(%arg12 : memref<!tpu.dma_semaphore, #tpu.memory_space<semaphore_mem>>)
    %dma_wait3A = tpu.memref_slice %arg3[%mul3A_34] : memref<64512xf32, #tpu.memory_space<hbm>> -> memref<8064xf32, #tpu.memory_space<hbm>>
    %dma_wait3A_40 = tpu.memref_slice %arg3[%mul3A_34] : memref<64512xf32, #tpu.memory_space<hbm>> -> memref<8064xf32, #tpu.memory_space<hbm>>
    tpu.wait_dma2 semaphore(%arg11 : memref<!tpu.dma_semaphore, #tpu.memory_space<semaphore_mem>>) src(%dma_wait3A_40 : memref<8064xf32, #tpu.memory_space<hbm>>) dst(%arg5 : memref<8064xf32, #tpu.memory_space<vmem>>)
    %dma_wait3A_41 = tpu.memref_slice %arg2[%mul3A_37] : memref<16384xi32, #tpu.memory_space<hbm>> -> memref<4096xi32, #tpu.memory_space<hbm>>
    %dma_wait3A_42 = tpu.memref_slice %arg2[%mul3A_37] : memref<16384xi32, #tpu.memory_space<hbm>> -> memref<4096xi32, #tpu.memory_space<hbm>>
    tpu.wait_dma2 semaphore(%arg12 : memref<!tpu.dma_semaphore, #tpu.memory_space<semaphore_mem>>) src(%dma_wait3A_42 : memref<4096xi32, #tpu.memory_space<hbm>>) dst(%arg6 : memref<4096xi32, #tpu.memory_space<vmem>>)
    %parallel_loop3A = arith.constant 0 : i32
    %parallel_loop3A_43 = arith.constant 8 : i32
    %parallel_loop3A_44 = arith.constant 1 : i32
    scf.for %parallel_loop3A_53 = %parallel_loop3A to %parallel_loop3A_43 step %parallel_loop3A_44  : i32 {
      %parallel_loop3A_54 = arith.constant 16 : i32
      %parallel_loop3A_55 = arith.muli %parallel_loop3A_53, %parallel_loop3A_54 : i32
      %parallel_loop3A_56 = arith.constant 0 : i32
      %parallel_loop3A_57 = arith.addi %parallel_loop3A_56, %parallel_loop3A_55 : i32
      %parallel_loop3A_58 = arith.index_cast %parallel_loop3A_57 : i32 to index
      %parallel_loop3A_59 = tpu.vector_load %arg6[%parallel_loop3A_58] {strides = array<i32>} : memref<4096xi32, #tpu.memory_space<vmem>>, vector<16xi32>,
      %parallel_loop3A_60 = arith.constant 1008 : i32
      %parallel_loop3A_61 = vector.broadcast %parallel_loop3A_60 : i32 to vector<16xi32>
      %parallel_loop3A_62 = arith.addi %parallel_loop3A_59, %parallel_loop3A_61 : vector<16xi32>
      %parallel_loop3A_63 = arith.constant 2016 : i32
      %parallel_loop3A_64 = vector.broadcast %parallel_loop3A_63 : i32 to vector<16xi32>
      %parallel_loop3A_65 = arith.addi %parallel_loop3A_59, %parallel_loop3A_64 : vector<16xi32>
      %parallel_loop3A_66 = arith.constant 3024 : i32
      %parallel_loop3A_67 = vector.broadcast %parallel_loop3A_66 : i32 to vector<16xi32>
      %parallel_loop3A_68 = arith.addi %parallel_loop3A_59, %parallel_loop3A_67 : vector<16xi32>
      %parallel_loop3A_69 = arith.constant 4032 : i32
      %parallel_loop3A_70 = vector.broadcast %parallel_loop3A_69 : i32 to vector<16xi32>
      %parallel_loop3A_71 = arith.addi %parallel_loop3A_59, %parallel_loop3A_70 : vector<16xi32>
      %parallel_loop3A_72 = arith.constant 5040 : i32
      %parallel_loop3A_73 = vector.broadcast %parallel_loop3A_72 : i32 to vector<16xi32>
      %parallel_loop3A_74 = arith.addi %parallel_loop3A_59, %parallel_loop3A_73 : vector<16xi32>
      %parallel_loop3A_75 = arith.constant 6048 : i32
      %parallel_loop3A_76 = vector.broadcast %parallel_loop3A_75 : i32 to vector<16xi32>
      %parallel_loop3A_77 = arith.addi %parallel_loop3A_59, %parallel_loop3A_76 : vector<16xi32>
      %parallel_loop3A_78 = arith.constant 7056 : i32
      %parallel_loop3A_79 = vector.broadcast %parallel_loop3A_78 : i32 to vector<16xi32>
      %parallel_loop3A_80 = arith.addi %parallel_loop3A_59, %parallel_loop3A_79 : vector<16xi32>
      %parallel_loop3A_81 = tpu.vector_load_idx %arg5[%parallel_loop3A_59] : memref<8064xf32, #tpu.memory_space<vmem>>[vector<16xi32>], vector<16xf32>,
      %parallel_loop3A_82 = tpu.vector_load_idx %arg5[%parallel_loop3A_62] : memref<8064xf32, #tpu.memory_space<vmem>>[vector<16xi32>], vector<16xf32>,
      %parallel_loop3A_83 = tpu.vector_load_idx %arg5[%parallel_loop3A_65] : memref<8064xf32, #tpu.memory_space<vmem>>[vector<16xi32>], vector<16xf32>,
      %parallel_loop3A_84 = tpu.vector_load_idx %arg5[%parallel_loop3A_68] : memref<8064xf32, #tpu.memory_space<vmem>>[vector<16xi32>], vector<16xf32>,
      %parallel_loop3A_85 = tpu.vector_load_idx %arg5[%parallel_loop3A_71] : memref<8064xf32, #tpu.memory_space<vmem>>[vector<16xi32>], vector<16xf32>,
      %parallel_loop3A_86 = tpu.vector_load_idx %arg5[%parallel_loop3A_74] : memref<8064xf32, #tpu.memory_space<vmem>>[vector<16xi32>], vector<16xf32>,
      %parallel_loop3A_87 = tpu.vector_load_idx %arg5[%parallel_loop3A_77] : memref<8064xf32, #tpu.memory_space<vmem>>[vector<16xi32>], vector<16xf32>,
      %parallel_loop3A_88 = tpu.vector_load_idx %arg5[%parallel_loop3A_80] : memref<8064xf32, #tpu.memory_space<vmem>>[vector<16xi32>], vector<16xf32>,
      %parallel_loop3A_89 = arith.constant 16 : i32
      %parallel_loop3A_90 = arith.muli %parallel_loop3A_53, %parallel_loop3A_89 : i32
      %parallel_loop3A_91 = arith.constant 0 : i32
      %parallel_loop3A_92 = arith.index_cast %parallel_loop3A_91 : i32 to index
      %parallel_loop3A_93 = arith.index_cast %parallel_loop3A_90 : i32 to index
      %parallel_loop3A_94 = tpu.vector_load %arg7[%parallel_loop3A_92, %parallel_loop3A_93] {strides = array<i32>} : memref<8x128xf32, #tpu.memory_space<vmem>>, vector<16xf32>,
      tpu.vector_store %arg7[%parallel_loop3A_92, %parallel_loop3A_93], %parallel_loop3A_81 {strides = array<i32>} : memref<8x128xf32, #tpu.memory_space<vmem>>, vector<16xf32>,
      %parallel_loop3A_95 = arith.constant 16 : i32
      %parallel_loop3A_96 = arith.muli %parallel_loop3A_53, %parallel_loop3A_95 : i32
      %parallel_loop3A_97 = arith.constant 1 : i32
      %parallel_loop3A_98 = arith.index_cast %parallel_loop3A_97 : i32 to index
      %parallel_loop3A_99 = arith.index_cast %parallel_loop3A_96 : i32 to index
      %parallel_loop3A_100 = tpu.vector_load %arg7[%parallel_loop3A_98, %parallel_loop3A_99] {strides = array<i32>} : memref<8x128xf32, #tpu.memory_space<vmem>>, vector<16xf32>,
      tpu.vector_store %arg7[%parallel_loop3A_98, %parallel_loop3A_99], %parallel_loop3A_82 {strides = array<i32>} : memref<8x128xf32, #tpu.memory_space<vmem>>, vector<16xf32>,
      %parallel_loop3A_101 = arith.constant 16 : i32
      %parallel_loop3A_102 = arith.muli %parallel_loop3A_53, %parallel_loop3A_101 : i32
      %parallel_loop3A_103 = arith.constant 2 : i32
      %parallel_loop3A_104 = arith.index_cast %parallel_loop3A_103 : i32 to index
      %parallel_loop3A_105 = arith.index_cast %parallel_loop3A_102 : i32 to index
      %parallel_loop3A_106 = tpu.vector_load %arg7[%parallel_loop3A_104, %parallel_loop3A_105] {strides = array<i32>} : memref<8x128xf32, #tpu.memory_space<vmem>>, vector<16xf32>,
      tpu.vector_store %arg7[%parallel_loop3A_104, %parallel_loop3A_105], %parallel_loop3A_83 {strides = array<i32>} : memref<8x128xf32, #tpu.memory_space<vmem>>, vector<16xf32>,
      %parallel_loop3A_107 = arith.constant 16 : i32
      %parallel_loop3A_108 = arith.muli %parallel_loop3A_53, %parallel_loop3A_107 : i32
      %parallel_loop3A_109 = arith.constant 3 : i32
      %parallel_loop3A_110 = arith.index_cast %parallel_loop3A_109 : i32 to index
      %parallel_loop3A_111 = arith.index_cast %parallel_loop3A_108 : i32 to index
      %parallel_loop3A_112 = tpu.vector_load %arg7[%parallel_loop3A_110, %parallel_loop3A_111] {strides = array<i32>} : memref<8x128xf32, #tpu.memory_space<vmem>>, vector<16xf32>,
      tpu.vector_store %arg7[%parallel_loop3A_110, %parallel_loop3A_111], %parallel_loop3A_84 {strides = array<i32>} : memref<8x128xf32, #tpu.memory_space<vmem>>, vector<16xf32>,
      %parallel_loop3A_113 = arith.constant 16 : i32
      %parallel_loop3A_114 = arith.muli %parallel_loop3A_53, %parallel_loop3A_113 : i32
      %parallel_loop3A_115 = arith.constant 4 : i32
      %parallel_loop3A_116 = arith.index_cast %parallel_loop3A_115 : i32 to index
      %parallel_loop3A_117 = arith.index_cast %parallel_loop3A_114 : i32 to index
      %parallel_loop3A_118 = tpu.vector_load %arg7[%parallel_loop3A_116, %parallel_loop3A_117] {strides = array<i32>} : memref<8x128xf32, #tpu.memory_space<vmem>>, vector<16xf32>,
      tpu.vector_store %arg7[%parallel_loop3A_116, %parallel_loop3A_117], %parallel_loop3A_85 {strides = array<i32>} : memref<8x128xf32, #tpu.memory_space<vmem>>, vector<16xf32>,
      %parallel_loop3A_119 = arith.constant 16 : i32
      %parallel_loop3A_120 = arith.muli %parallel_loop3A_53, %parallel_loop3A_119 : i32
      %parallel_loop3A_121 = arith.constant 5 : i32
      %parallel_loop3A_122 = arith.index_cast %parallel_loop3A_121 : i32 to index
      %parallel_loop3A_123 = arith.index_cast %parallel_loop3A_120 : i32 to index
      %parallel_loop3A_124 = tpu.vector_load %arg7[%parallel_loop3A_122, %parallel_loop3A_123] {strides = array<i32>} : memref<8x128xf32, #tpu.memory_space<vmem>>, vector<16xf32>,
      tpu.vector_store %arg7[%parallel_loop3A_122, %parallel_loop3A_123], %parallel_loop3A_86 {strides = array<i32>} : memref<8x128xf32, #tpu.memory_space<vmem>>, vector<16xf32>,
      %parallel_loop3A_125 = arith.constant 16 : i32
      %parallel_loop3A_126 = arith.muli %parallel_loop3A_53, %parallel_loop3A_125 : i32
      %parallel_loop3A_127 = arith.constant 6 : i32
      %parallel_loop3A_128 = arith.index_cast %parallel_loop3A_127 : i32 to index
      %parallel_loop3A_129 = arith.index_cast %parallel_loop3A_126 : i32 to index
      %parallel_loop3A_130 = tpu.vector_load %arg7[%parallel_loop3A_128, %parallel_loop3A_129] {strides = array<i32>} : memref<8x128xf32, #tpu.memory_space<vmem>>, vector<16xf32>,
      tpu.vector_store %arg7[%parallel_loop3A_128, %parallel_loop3A_129], %parallel_loop3A_87 {strides = array<i32>} : memref<8x128xf32, #tpu.memory_space<vmem>>, vector<16xf32>,
      %parallel_loop3A_131 = arith.constant 16 : i32
      %parallel_loop3A_132 = arith.muli %parallel_loop3A_53, %parallel_loop3A_131 : i32
      %parallel_loop3A_133 = arith.constant 7 : i32
      %parallel_loop3A_134 = arith.index_cast %parallel_loop3A_133 : i32 to index
      %parallel_loop3A_135 = arith.index_cast %parallel_loop3A_132 : i32 to index
      %parallel_loop3A_136 = tpu.vector_load %arg7[%parallel_loop3A_134, %parallel_loop3A_135] {strides = array<i32>} : memref<8x128xf32, #tpu.memory_space<vmem>>, vector<16xf32>,
      tpu.vector_store %arg7[%parallel_loop3A_134, %parallel_loop3A_135], %parallel_loop3A_88 {strides = array<i32>} : memref<8x128xf32, #tpu.memory_space<vmem>>, vector<16xf32>,
    } {sc.loop_unroll_factor = 8 : i64, sc.parallel_access}
    %parallel_loop3A_45 = arith.constant 0 : i32
    %parallel_loop3A_46 = arith.constant 8 : i32
    %parallel_loop3A_47 = arith.constant 1 : i32
    scf.for %parallel_loop3A_53 = %parallel_loop3A_45 to %parallel_loop3A_46 step %parallel_loop3A_47  : i32 {
      %parallel_loop3A_54 = arith.constant 16 : i32
      %parallel_loop3A_55 = arith.muli %parallel_loop3A_53, %parallel_loop3A_54 : i32
      %parallel_loop3A_56 = arith.constant 128 : i32
      %parallel_loop3A_57 = arith.addi %parallel_loop3A_56, %parallel_loop3A_55 : i32
      %parallel_loop3A_58 = arith.index_cast %parallel_loop3A_57 : i32 to index
      %parallel_loop3A_59 = tpu.vector_load %arg6[%parallel_loop3A_58] {strides = array<i32>} : memref<4096xi32, #tpu.memory_space<vmem>>, vector<16xi32>,
      %parallel_loop3A_60 = arith.constant 1008 : i32
      %parallel_loop3A_61 = vector.broadcast %parallel_loop3A_60 : i32 to vector<16xi32>
      %parallel_loop3A_62 = arith.addi %parallel_loop3A_59, %parallel_loop3A_61 : vector<16xi32>
      %parallel_loop3A_63 = arith.constant 2016 : i32
      %parallel_loop3A_64 = vector.broadcast %parallel_loop3A_63 : i32 to vector<16xi32>
      %parallel_loop3A_65 = arith.addi %parallel_loop3A_59, %parallel_loop3A_64 : vector<16xi32>
      %parallel_loop3A_66 = arith.constant 3024 : i32
      %parallel_loop3A_67 = vector.broadcast %parallel_loop3A_66 : i32 to vector<16xi32>
      %parallel_loop3A_68 = arith.addi %parallel_loop3A_59, %parallel_loop3A_67 : vector<16xi32>
      %parallel_loop3A_69 = arith.constant 4032 : i32
      %parallel_loop3A_70 = vector.broadcast %parallel_loop3A_69 : i32 to vector<16xi32>
      %parallel_loop3A_71 = arith.addi %parallel_loop3A_59, %parallel_loop3A_70 : vector<16xi32>
      %parallel_loop3A_72 = arith.constant 5040 : i32
      %parallel_loop3A_73 = vector.broadcast %parallel_loop3A_72 : i32 to vector<16xi32>
      %parallel_loop3A_74 = arith.addi %parallel_loop3A_59, %parallel_loop3A_73 : vector<16xi32>
      %parallel_loop3A_75 = arith.constant 6048 : i32
      %parallel_loop3A_76 = vector.broadcast %parallel_loop3A_75 : i32 to vector<16xi32>
      %parallel_loop3A_77 = arith.addi %parallel_loop3A_59, %parallel_loop3A_76 : vector<16xi32>
      %parallel_loop3A_78 = arith.constant 7056 : i32
      %parallel_loop3A_79 = vector.broadcast %parallel_loop3A_78 : i32 to vector<16xi32>
      %parallel_loop3A_80 = arith.addi %parallel_loop3A_59, %parallel_loop3A_79 : vector<16xi32>
      %parallel_loop3A_81 = tpu.vector_load_idx %arg5[%parallel_loop3A_59] : memref<8064xf32, #tpu.memory_space<vmem>>[vector<16xi32>], vector<16xf32>,
      %parallel_loop3A_82 = tpu.vector_load_idx %arg5[%parallel_loop3A_62] : memref<8064xf32, #tpu.memory_space<vmem>>[vector<16xi32>], vector<16xf32>,
      %parallel_loop3A_83 = tpu.vector_load_idx %arg5[%parallel_loop3A_65] : memref<8064xf32, #tpu.memory_space<vmem>>[vector<16xi32>], vector<16xf32>,
      %parallel_loop3A_84 = tpu.vector_load_idx %arg5[%parallel_loop3A_68] : memref<8064xf32, #tpu.memory_space<vmem>>[vector<16xi32>], vector<16xf32>,
      %parallel_loop3A_85 = tpu.vector_load_idx %arg5[%parallel_loop3A_71] : memref<8064xf32, #tpu.memory_space<vmem>>[vector<16xi32>], vector<16xf32>,
      %parallel_loop3A_86 = tpu.vector_load_idx %arg5[%parallel_loop3A_74] : memref<8064xf32, #tpu.memory_space<vmem>>[vector<16xi32>], vector<16xf32>,
      %parallel_loop3A_87 = tpu.vector_load_idx %arg5[%parallel_loop3A_77] : memref<8064xf32, #tpu.memory_space<vmem>>[vector<16xi32>], vector<16xf32>,
      %parallel_loop3A_88 = tpu.vector_load_idx %arg5[%parallel_loop3A_80] : memref<8064xf32, #tpu.memory_space<vmem>>[vector<16xi32>], vector<16xf32>,
      %parallel_loop3A_89 = arith.constant 16 : i32
      %parallel_loop3A_90 = arith.muli %parallel_loop3A_53, %parallel_loop3A_89 : i32
      %parallel_loop3A_91 = arith.constant 0 : i32
      %parallel_loop3A_92 = arith.index_cast %parallel_loop3A_91 : i32 to index
      %parallel_loop3A_93 = arith.index_cast %parallel_loop3A_90 : i32 to index
      %parallel_loop3A_94 = tpu.vector_load %arg8[%parallel_loop3A_92, %parallel_loop3A_93] {strides = array<i32>} : memref<8x128xf32, #tpu.memory_space<vmem>>, vector<16xf32>,
      tpu.vector_store %arg8[%parallel_loop3A_92, %parallel_loop3A_93], %parallel_loop3A_81 {strides = array<i32>} : memref<8x128xf32, #tpu.memory_space<vmem>>, vector<16xf32>,
      %parallel_loop3A_95 = arith.constant 16 : i32
      %parallel_loop3A_96 = arith.muli %parallel_loop3A_53, %parallel_loop3A_95 : i32
      %parallel_loop3A_97 = arith.constant 1 : i32
      %parallel_loop3A_98 = arith.index_cast %parallel_loop3A_97 : i32 to index
      %parallel_loop3A_99 = arith.index_cast %parallel_loop3A_96 : i32 to index
      %parallel_loop3A_100 = tpu.vector_load %arg8[%parallel_loop3A_98, %parallel_loop3A_99] {strides = array<i32>} : memref<8x128xf32, #tpu.memory_space<vmem>>, vector<16xf32>,
      tpu.vector_store %arg8[%parallel_loop3A_98, %parallel_loop3A_99], %parallel_loop3A_82 {strides = array<i32>} : memref<8x128xf32, #tpu.memory_space<vmem>>, vector<16xf32>,
      %parallel_loop3A_101 = arith.constant 16 : i32
      %parallel_loop3A_102 = arith.muli %parallel_loop3A_53, %parallel_loop3A_101 : i32
      %parallel_loop3A_103 = arith.constant 2 : i32
      %parallel_loop3A_104 = arith.index_cast %parallel_loop3A_103 : i32 to index
      %parallel_loop3A_105 = arith.index_cast %parallel_loop3A_102 : i32 to index
      %parallel_loop3A_106 = tpu.vector_load %arg8[%parallel_loop3A_104, %parallel_loop3A_105] {strides = array<i32>} : memref<8x128xf32, #tpu.memory_space<vmem>>, vector<16xf32>,
      tpu.vector_store %arg8[%parallel_loop3A_104, %parallel_loop3A_105], %parallel_loop3A_83 {strides = array<i32>} : memref<8x128xf32, #tpu.memory_space<vmem>>, vector<16xf32>,
      %parallel_loop3A_107 = arith.constant 16 : i32
      %parallel_loop3A_108 = arith.muli %parallel_loop3A_53, %parallel_loop3A_107 : i32
      %parallel_loop3A_109 = arith.constant 3 : i32
      %parallel_loop3A_110 = arith.index_cast %parallel_loop3A_109 : i32 to index
      %parallel_loop3A_111 = arith.index_cast %parallel_loop3A_108 : i32 to index
      %parallel_loop3A_112 = tpu.vector_load %arg8[%parallel_loop3A_110, %parallel_loop3A_111] {strides = array<i32>} : memref<8x128xf32, #tpu.memory_space<vmem>>, vector<16xf32>,
      tpu.vector_store %arg8[%parallel_loop3A_110, %parallel_loop3A_111], %parallel_loop3A_84 {strides = array<i32>} : memref<8x128xf32, #tpu.memory_space<vmem>>, vector<16xf32>,
      %parallel_loop3A_113 = arith.constant 16 : i32
      %parallel_loop3A_114 = arith.muli %parallel_loop3A_53, %parallel_loop3A_113 : i32
      %parallel_loop3A_115 = arith.constant 4 : i32
      %parallel_loop3A_116 = arith.index_cast %parallel_loop3A_115 : i32 to index
      %parallel_loop3A_117 = arith.index_cast %parallel_loop3A_114 : i32 to index
      %parallel_loop3A_118 = tpu.vector_load %arg8[%parallel_loop3A_116, %parallel_loop3A_117] {strides = array<i32>} : memref<8x128xf32, #tpu.memory_space<vmem>>, vector<16xf32>,
      tpu.vector_store %arg8[%parallel_loop3A_116, %parallel_loop3A_117], %parallel_loop3A_85 {strides = array<i32>} : memref<8x128xf32, #tpu.memory_space<vmem>>, vector<16xf32>,
      %parallel_loop3A_119 = arith.constant 16 : i32
      %parallel_loop3A_120 = arith.muli %parallel_loop3A_53, %parallel_loop3A_119 : i32
      %parallel_loop3A_121 = arith.constant 5 : i32
      %parallel_loop3A_122 = arith.index_cast %parallel_loop3A_121 : i32 to index
      %parallel_loop3A_123 = arith.index_cast %parallel_loop3A_120 : i32 to index
      %parallel_loop3A_124 = tpu.vector_load %arg8[%parallel_loop3A_122, %parallel_loop3A_123] {strides = array<i32>} : memref<8x128xf32, #tpu.memory_space<vmem>>, vector<16xf32>,
      tpu.vector_store %arg8[%parallel_loop3A_122, %parallel_loop3A_123], %parallel_loop3A_86 {strides = array<i32>} : memref<8x128xf32, #tpu.memory_space<vmem>>, vector<16xf32>,
      %parallel_loop3A_125 = arith.constant 16 : i32
      %parallel_loop3A_126 = arith.muli %parallel_loop3A_53, %parallel_loop3A_125 : i32
      %parallel_loop3A_127 = arith.constant 6 : i32
      %parallel_loop3A_128 = arith.index_cast %parallel_loop3A_127 : i32 to index
      %parallel_loop3A_129 = arith.index_cast %parallel_loop3A_126 : i32 to index
      %parallel_loop3A_130 = tpu.vector_load %arg8[%parallel_loop3A_128, %parallel_loop3A_129] {strides = array<i32>} : memref<8x128xf32, #tpu.memory_space<vmem>>, vector<16xf32>,
      tpu.vector_store %arg8[%parallel_loop3A_128, %parallel_loop3A_129], %parallel_loop3A_87 {strides = array<i32>} : memref<8x128xf32, #tpu.memory_space<vmem>>, vector<16xf32>,
      %parallel_loop3A_131 = arith.constant 16 : i32
      %parallel_loop3A_132 = arith.muli %parallel_loop3A_53, %parallel_loop3A_131 : i32
      %parallel_loop3A_133 = arith.constant 7 : i32
      %parallel_loop3A_134 = arith.index_cast %parallel_loop3A_133 : i32 to index
      %parallel_loop3A_135 = arith.index_cast %parallel_loop3A_132 : i32 to index
      %parallel_loop3A_136 = tpu.vector_load %arg8[%parallel_loop3A_134, %parallel_loop3A_135] {strides = array<i32>} : memref<8x128xf32, #tpu.memory_space<vmem>>, vector<16xf32>,
      tpu.vector_store %arg8[%parallel_loop3A_134, %parallel_loop3A_135], %parallel_loop3A_88 {strides = array<i32>} : memref<8x128xf32, #tpu.memory_space<vmem>>, vector<16xf32>,
    } {sc.loop_unroll_factor = 8 : i64, sc.parallel_access}
    %scan3A = arith.constant 0 : i32
    %scan3A_48 = arith.constant 0 : i32
    %scan3A_49 = arith.constant 8 : i32
    %scan3A_50 = arith.addi %scan3A_48, %scan3A_49 : i32
    %scan3A_51 = arith.constant 1 : i32
    scf.for %scan3A_53 = %scan3A_48 to %scan3A_50 step %scan3A_51  : i32 {
      %mul3A_54 = arith.constant 4 : i32
      %mul3A_55 = arith.muli %mul3A_54, %scan3A_53 : i32
      %mul3A_56 = arith.constant 8 : i32
      %mul3A_57 = arith.muli %select_n3A_9, %mul3A_56 : i32
      %mul3A_58 = arith.constant 4096 : i32
      %mul3A_59 = arith.muli %select_n3A_30, %mul3A_58 : i32
      %mul3A_60 = arith.constant 128 : i32
      %mul3A_61 = arith.muli %mul3A_55, %mul3A_60 : i32
      %add3A_62 = arith.addi %mul3A_59, %mul3A_61 : i32
      %dma_start3A_63 = tpu.memref_slice %arg4[%mul3A_57, %add3A_62] : memref<64x16384xf32, #tpu.memory_space<hbm>> -> memref<8x128xf32, #tpu.memory_space<hbm>>
      %dma_start3A_64 = tpu.memref_slice %arg4[%mul3A_57, %add3A_62] : memref<64x16384xf32, #tpu.memory_space<hbm>> -> memref<8x128xf32, #tpu.memory_space<hbm>>
      tpu.enqueue_dma source(%arg7 : memref<8x128xf32, #tpu.memory_space<vmem>>) target(%dma_start3A_64 : memref<8x128xf32, #tpu.memory_space<hbm>>) target_semaphore(%arg11 : memref<!tpu.dma_semaphore, #tpu.memory_space<semaphore_mem>>)
      %add3A_65 = arith.constant 1 : i32
      %add3A_66 = arith.addi %mul3A_55, %add3A_65 : i32
      %mul3A_67 = arith.constant 8 : i32
      %mul3A_68 = arith.muli %select_n3A_9, %mul3A_67 : i32
      %mul3A_69 = arith.constant 4096 : i32
      %mul3A_70 = arith.muli %select_n3A_30, %mul3A_69 : i32
      %mul3A_71 = arith.constant 128 : i32
      %mul3A_72 = arith.muli %add3A_66, %mul3A_71 : i32
      %add3A_73 = arith.addi %mul3A_70, %mul3A_72 : i32
      %dma_start3A_74 = tpu.memref_slice %arg4[%mul3A_68, %add3A_73] : memref<64x16384xf32, #tpu.memory_space<hbm>> -> memref<8x128xf32, #tpu.memory_space<hbm>>
      %dma_start3A_75 = tpu.memref_slice %arg4[%mul3A_68, %add3A_73] : memref<64x16384xf32, #tpu.memory_space<hbm>> -> memref<8x128xf32, #tpu.memory_space<hbm>>
      tpu.enqueue_dma source(%arg8 : memref<8x128xf32, #tpu.memory_space<vmem>>) target(%dma_start3A_75 : memref<8x128xf32, #tpu.memory_space<hbm>>) target_semaphore(%arg12 : memref<!tpu.dma_semaphore, #tpu.memory_space<semaphore_mem>>)
      %add3A_76 = arith.constant 2 : i32
      %add3A_77 = arith.addi %mul3A_55, %add3A_76 : i32
      %parallel_loop3A_78 = arith.constant 0 : i32
      %parallel_loop3A_79 = arith.constant 8 : i32
      %parallel_loop3A_80 = arith.constant 1 : i32
      scf.for %parallel_loop3A_119 = %parallel_loop3A_78 to %parallel_loop3A_79 step %parallel_loop3A_80  : i32 {
        %parallel_loop3A_120 = arith.constant 128 : i32
        %parallel_loop3A_121 = arith.muli %add3A_77, %parallel_loop3A_120 : i32
        %parallel_loop3A_122 = arith.constant 16 : i32
        %parallel_loop3A_123 = arith.muli %parallel_loop3A_119, %parallel_loop3A_122 : i32
        %parallel_loop3A_124 = arith.addi %parallel_loop3A_121, %parallel_loop3A_123 : i32
        %parallel_loop3A_125 = arith.index_cast %parallel_loop3A_124 : i32 to index
        %parallel_loop3A_126 = tpu.vector_load %arg6[%parallel_loop3A_125] {strides = array<i32>} : memref<4096xi32, #tpu.memory_space<vmem>>, vector<16xi32>,
        %parallel_loop3A_127 = arith.constant 1008 : i32
        %parallel_loop3A_128 = vector.broadcast %parallel_loop3A_127 : i32 to vector<16xi32>
        %parallel_loop3A_129 = arith.addi %parallel_loop3A_126, %parallel_loop3A_128 : vector<16xi32>
        %parallel_loop3A_130 = arith.constant 2016 : i32
        %parallel_loop3A_131 = vector.broadcast %parallel_loop3A_130 : i32 to vector<16xi32>
        %parallel_loop3A_132 = arith.addi %parallel_loop3A_126, %parallel_loop3A_131 : vector<16xi32>
        %parallel_loop3A_133 = arith.constant 3024 : i32
        %parallel_loop3A_134 = vector.broadcast %parallel_loop3A_133 : i32 to vector<16xi32>
        %parallel_loop3A_135 = arith.addi %parallel_loop3A_126, %parallel_loop3A_134 : vector<16xi32>
        %parallel_loop3A_136 = arith.constant 4032 : i32
        %parallel_loop3A_137 = vector.broadcast %parallel_loop3A_136 : i32 to vector<16xi32>
        %parallel_loop3A_138 = arith.addi %parallel_loop3A_126, %parallel_loop3A_137 : vector<16xi32>
        %parallel_loop3A_139 = arith.constant 5040 : i32
        %parallel_loop3A_140 = vector.broadcast %parallel_loop3A_139 : i32 to vector<16xi32>
        %parallel_loop3A_141 = arith.addi %parallel_loop3A_126, %parallel_loop3A_140 : vector<16xi32>
        %parallel_loop3A_142 = arith.constant 6048 : i32
        %parallel_loop3A_143 = vector.broadcast %parallel_loop3A_142 : i32 to vector<16xi32>
        %parallel_loop3A_144 = arith.addi %parallel_loop3A_126, %parallel_loop3A_143 : vector<16xi32>
        %parallel_loop3A_145 = arith.constant 7056 : i32
        %parallel_loop3A_146 = vector.broadcast %parallel_loop3A_145 : i32 to vector<16xi32>
        %parallel_loop3A_147 = arith.addi %parallel_loop3A_126, %parallel_loop3A_146 : vector<16xi32>
        %parallel_loop3A_148 = tpu.vector_load_idx %arg5[%parallel_loop3A_126] : memref<8064xf32, #tpu.memory_space<vmem>>[vector<16xi32>], vector<16xf32>,
        %parallel_loop3A_149 = tpu.vector_load_idx %arg5[%parallel_loop3A_129] : memref<8064xf32, #tpu.memory_space<vmem>>[vector<16xi32>], vector<16xf32>,
        %parallel_loop3A_150 = tpu.vector_load_idx %arg5[%parallel_loop3A_132] : memref<8064xf32, #tpu.memory_space<vmem>>[vector<16xi32>], vector<16xf32>,
        %parallel_loop3A_151 = tpu.vector_load_idx %arg5[%parallel_loop3A_135] : memref<8064xf32, #tpu.memory_space<vmem>>[vector<16xi32>], vector<16xf32>,
        %parallel_loop3A_152 = tpu.vector_load_idx %arg5[%parallel_loop3A_138] : memref<8064xf32, #tpu.memory_space<vmem>>[vector<16xi32>], vector<16xf32>,
        %parallel_loop3A_153 = tpu.vector_load_idx %arg5[%parallel_loop3A_141] : memref<8064xf32, #tpu.memory_space<vmem>>[vector<16xi32>], vector<16xf32>,
        %parallel_loop3A_154 = tpu.vector_load_idx %arg5[%parallel_loop3A_144] : memref<8064xf32, #tpu.memory_space<vmem>>[vector<16xi32>], vector<16xf32>,
        %parallel_loop3A_155 = tpu.vector_load_idx %arg5[%parallel_loop3A_147] : memref<8064xf32, #tpu.memory_space<vmem>>[vector<16xi32>], vector<16xf32>,
        %parallel_loop3A_156 = arith.constant 16 : i32
        %parallel_loop3A_157 = arith.muli %parallel_loop3A_119, %parallel_loop3A_156 : i32
        %parallel_loop3A_158 = arith.constant 0 : i32
        %parallel_loop3A_159 = arith.index_cast %parallel_loop3A_158 : i32 to index
        %parallel_loop3A_160 = arith.index_cast %parallel_loop3A_157 : i32 to index
        %parallel_loop3A_161 = tpu.vector_load %arg9[%parallel_loop3A_159, %parallel_loop3A_160] {strides = array<i32>} : memref<8x128xf32, #tpu.memory_space<vmem>>, vector<16xf32>,
        tpu.vector_store %arg9[%parallel_loop3A_159, %parallel_loop3A_160], %parallel_loop3A_148 {strides = array<i32>} : memref<8x128xf32, #tpu.memory_space<vmem>>, vector<16xf32>,
        %parallel_loop3A_162 = arith.constant 16 : i32
        %parallel_loop3A_163 = arith.muli %parallel_loop3A_119, %parallel_loop3A_162 : i32
        %parallel_loop3A_164 = arith.constant 1 : i32
        %parallel_loop3A_165 = arith.index_cast %parallel_loop3A_164 : i32 to index
        %parallel_loop3A_166 = arith.index_cast %parallel_loop3A_163 : i32 to index
        %parallel_loop3A_167 = tpu.vector_load %arg9[%parallel_loop3A_165, %parallel_loop3A_166] {strides = array<i32>} : memref<8x128xf32, #tpu.memory_space<vmem>>, vector<16xf32>,
        tpu.vector_store %arg9[%parallel_loop3A_165, %parallel_loop3A_166], %parallel_loop3A_149 {strides = array<i32>} : memref<8x128xf32, #tpu.memory_space<vmem>>, vector<16xf32>,
        %parallel_loop3A_168 = arith.constant 16 : i32
        %parallel_loop3A_169 = arith.muli %parallel_loop3A_119, %parallel_loop3A_168 : i32
        %parallel_loop3A_170 = arith.constant 2 : i32
        %parallel_loop3A_171 = arith.index_cast %parallel_loop3A_170 : i32 to index
        %parallel_loop3A_172 = arith.index_cast %parallel_loop3A_169 : i32 to index
        %parallel_loop3A_173 = tpu.vector_load %arg9[%parallel_loop3A_171, %parallel_loop3A_172] {strides = array<i32>} : memref<8x128xf32, #tpu.memory_space<vmem>>, vector<16xf32>,
        tpu.vector_store %arg9[%parallel_loop3A_171, %parallel_loop3A_172], %parallel_loop3A_150 {strides = array<i32>} : memref<8x128xf32, #tpu.memory_space<vmem>>, vector<16xf32>,
        %parallel_loop3A_174 = arith.constant 16 : i32
        %parallel_loop3A_175 = arith.muli %parallel_loop3A_119, %parallel_loop3A_174 : i32
        %parallel_loop3A_176 = arith.constant 3 : i32
        %parallel_loop3A_177 = arith.index_cast %parallel_loop3A_176 : i32 to index
        %parallel_loop3A_178 = arith.index_cast %parallel_loop3A_175 : i32 to index
        %parallel_loop3A_179 = tpu.vector_load %arg9[%parallel_loop3A_177, %parallel_loop3A_178] {strides = array<i32>} : memref<8x128xf32, #tpu.memory_space<vmem>>, vector<16xf32>,
        tpu.vector_store %arg9[%parallel_loop3A_177, %parallel_loop3A_178], %parallel_loop3A_151 {strides = array<i32>} : memref<8x128xf32, #tpu.memory_space<vmem>>, vector<16xf32>,
        %parallel_loop3A_180 = arith.constant 16 : i32
        %parallel_loop3A_181 = arith.muli %parallel_loop3A_119, %parallel_loop3A_180 : i32
        %parallel_loop3A_182 = arith.constant 4 : i32
        %parallel_loop3A_183 = arith.index_cast %parallel_loop3A_182 : i32 to index
        %parallel_loop3A_184 = arith.index_cast %parallel_loop3A_181 : i32 to index
        %parallel_loop3A_185 = tpu.vector_load %arg9[%parallel_loop3A_183, %parallel_loop3A_184] {strides = array<i32>} : memref<8x128xf32, #tpu.memory_space<vmem>>, vector<16xf32>,
        tpu.vector_store %arg9[%parallel_loop3A_183, %parallel_loop3A_184], %parallel_loop3A_152 {strides = array<i32>} : memref<8x128xf32, #tpu.memory_space<vmem>>, vector<16xf32>,
        %parallel_loop3A_186 = arith.constant 16 : i32
        %parallel_loop3A_187 = arith.muli %parallel_loop3A_119, %parallel_loop3A_186 : i32
        %parallel_loop3A_188 = arith.constant 5 : i32
        %parallel_loop3A_189 = arith.index_cast %parallel_loop3A_188 : i32 to index
        %parallel_loop3A_190 = arith.index_cast %parallel_loop3A_187 : i32 to index
        %parallel_loop3A_191 = tpu.vector_load %arg9[%parallel_loop3A_189, %parallel_loop3A_190] {strides = array<i32>} : memref<8x128xf32, #tpu.memory_space<vmem>>, vector<16xf32>,
        tpu.vector_store %arg9[%parallel_loop3A_189, %parallel_loop3A_190], %parallel_loop3A_153 {strides = array<i32>} : memref<8x128xf32, #tpu.memory_space<vmem>>, vector<16xf32>,
        %parallel_loop3A_192 = arith.constant 16 : i32
        %parallel_loop3A_193 = arith.muli %parallel_loop3A_119, %parallel_loop3A_192 : i32
        %parallel_loop3A_194 = arith.constant 6 : i32
        %parallel_loop3A_195 = arith.index_cast %parallel_loop3A_194 : i32 to index
        %parallel_loop3A_196 = arith.index_cast %parallel_loop3A_193 : i32 to index
        %parallel_loop3A_197 = tpu.vector_load %arg9[%parallel_loop3A_195, %parallel_loop3A_196] {strides = array<i32>} : memref<8x128xf32, #tpu.memory_space<vmem>>, vector<16xf32>,
        tpu.vector_store %arg9[%parallel_loop3A_195, %parallel_loop3A_196], %parallel_loop3A_154 {strides = array<i32>} : memref<8x128xf32, #tpu.memory_space<vmem>>, vector<16xf32>,
        %parallel_loop3A_198 = arith.constant 16 : i32
        %parallel_loop3A_199 = arith.muli %parallel_loop3A_119, %parallel_loop3A_198 : i32
        %parallel_loop3A_200 = arith.constant 7 : i32
        %parallel_loop3A_201 = arith.index_cast %parallel_loop3A_200 : i32 to index
        %parallel_loop3A_202 = arith.index_cast %parallel_loop3A_199 : i32 to index
        %parallel_loop3A_203 = tpu.vector_load %arg9[%parallel_loop3A_201, %parallel_loop3A_202] {strides = array<i32>} : memref<8x128xf32, #tpu.memory_space<vmem>>, vector<16xf32>,
        tpu.vector_store %arg9[%parallel_loop3A_201, %parallel_loop3A_202], %parallel_loop3A_155 {strides = array<i32>} : memref<8x128xf32, #tpu.memory_space<vmem>>, vector<16xf32>,
      } {sc.loop_unroll_factor = 8 : i64, sc.parallel_access}
      %add3A_81 = arith.constant 3 : i32
      %add3A_82 = arith.addi %mul3A_55, %add3A_81 : i32
      %parallel_loop3A_83 = arith.constant 0 : i32
      %parallel_loop3A_84 = arith.constant 8 : i32
      %parallel_loop3A_85 = arith.constant 1 : i32
      scf.for %parallel_loop3A_119 = %parallel_loop3A_83 to %parallel_loop3A_84 step %parallel_loop3A_85  : i32 {
        %parallel_loop3A_120 = arith.constant 128 : i32
        %parallel_loop3A_121 = arith.muli %add3A_82, %parallel_loop3A_120 : i32
        %parallel_loop3A_122 = arith.constant 16 : i32
        %parallel_loop3A_123 = arith.muli %parallel_loop3A_119, %parallel_loop3A_122 : i32
        %parallel_loop3A_124 = arith.addi %parallel_loop3A_121, %parallel_loop3A_123 : i32
        %parallel_loop3A_125 = arith.index_cast %parallel_loop3A_124 : i32 to index
        %parallel_loop3A_126 = tpu.vector_load %arg6[%parallel_loop3A_125] {strides = array<i32>} : memref<4096xi32, #tpu.memory_space<vmem>>, vector<16xi32>,
        %parallel_loop3A_127 = arith.constant 1008 : i32
        %parallel_loop3A_128 = vector.broadcast %parallel_loop3A_127 : i32 to vector<16xi32>
        %parallel_loop3A_129 = arith.addi %parallel_loop3A_126, %parallel_loop3A_128 : vector<16xi32>
        %parallel_loop3A_130 = arith.constant 2016 : i32
        %parallel_loop3A_131 = vector.broadcast %parallel_loop3A_130 : i32 to vector<16xi32>
        %parallel_loop3A_132 = arith.addi %parallel_loop3A_126, %parallel_loop3A_131 : vector<16xi32>
        %parallel_loop3A_133 = arith.constant 3024 : i32
        %parallel_loop3A_134 = vector.broadcast %parallel_loop3A_133 : i32 to vector<16xi32>
        %parallel_loop3A_135 = arith.addi %parallel_loop3A_126, %parallel_loop3A_134 : vector<16xi32>
        %parallel_loop3A_136 = arith.constant 4032 : i32
        %parallel_loop3A_137 = vector.broadcast %parallel_loop3A_136 : i32 to vector<16xi32>
        %parallel_loop3A_138 = arith.addi %parallel_loop3A_126, %parallel_loop3A_137 : vector<16xi32>
        %parallel_loop3A_139 = arith.constant 5040 : i32
        %parallel_loop3A_140 = vector.broadcast %parallel_loop3A_139 : i32 to vector<16xi32>
        %parallel_loop3A_141 = arith.addi %parallel_loop3A_126, %parallel_loop3A_140 : vector<16xi32>
        %parallel_loop3A_142 = arith.constant 6048 : i32
        %parallel_loop3A_143 = vector.broadcast %parallel_loop3A_142 : i32 to vector<16xi32>
        %parallel_loop3A_144 = arith.addi %parallel_loop3A_126, %parallel_loop3A_143 : vector<16xi32>
        %parallel_loop3A_145 = arith.constant 7056 : i32
        %parallel_loop3A_146 = vector.broadcast %parallel_loop3A_145 : i32 to vector<16xi32>
        %parallel_loop3A_147 = arith.addi %parallel_loop3A_126, %parallel_loop3A_146 : vector<16xi32>
        %parallel_loop3A_148 = tpu.vector_load_idx %arg5[%parallel_loop3A_126] : memref<8064xf32, #tpu.memory_space<vmem>>[vector<16xi32>], vector<16xf32>,
        %parallel_loop3A_149 = tpu.vector_load_idx %arg5[%parallel_loop3A_129] : memref<8064xf32, #tpu.memory_space<vmem>>[vector<16xi32>], vector<16xf32>,
        %parallel_loop3A_150 = tpu.vector_load_idx %arg5[%parallel_loop3A_132] : memref<8064xf32, #tpu.memory_space<vmem>>[vector<16xi32>], vector<16xf32>,
        %parallel_loop3A_151 = tpu.vector_load_idx %arg5[%parallel_loop3A_135] : memref<8064xf32, #tpu.memory_space<vmem>>[vector<16xi32>], vector<16xf32>,
        %parallel_loop3A_152 = tpu.vector_load_idx %arg5[%parallel_loop3A_138] : memref<8064xf32, #tpu.memory_space<vmem>>[vector<16xi32>], vector<16xf32>,
        %parallel_loop3A_153 = tpu.vector_load_idx %arg5[%parallel_loop3A_141] : memref<8064xf32, #tpu.memory_space<vmem>>[vector<16xi32>], vector<16xf32>,
        %parallel_loop3A_154 = tpu.vector_load_idx %arg5[%parallel_loop3A_144] : memref<8064xf32, #tpu.memory_space<vmem>>[vector<16xi32>], vector<16xf32>,
        %parallel_loop3A_155 = tpu.vector_load_idx %arg5[%parallel_loop3A_147] : memref<8064xf32, #tpu.memory_space<vmem>>[vector<16xi32>], vector<16xf32>,
        %parallel_loop3A_156 = arith.constant 16 : i32
        %parallel_loop3A_157 = arith.muli %parallel_loop3A_119, %parallel_loop3A_156 : i32
        %parallel_loop3A_158 = arith.constant 0 : i32
        %parallel_loop3A_159 = arith.index_cast %parallel_loop3A_158 : i32 to index
        %parallel_loop3A_160 = arith.index_cast %parallel_loop3A_157 : i32 to index
        %parallel_loop3A_161 = tpu.vector_load %arg10[%parallel_loop3A_159, %parallel_loop3A_160] {strides = array<i32>} : memref<8x128xf32, #tpu.memory_space<vmem>>, vector<16xf32>,
        tpu.vector_store %arg10[%parallel_loop3A_159, %parallel_loop3A_160], %parallel_loop3A_148 {strides = array<i32>} : memref<8x128xf32, #tpu.memory_space<vmem>>, vector<16xf32>,
        %parallel_loop3A_162 = arith.constant 16 : i32
        %parallel_loop3A_163 = arith.muli %parallel_loop3A_119, %parallel_loop3A_162 : i32
        %parallel_loop3A_164 = arith.constant 1 : i32
        %parallel_loop3A_165 = arith.index_cast %parallel_loop3A_164 : i32 to index
        %parallel_loop3A_166 = arith.index_cast %parallel_loop3A_163 : i32 to index
        %parallel_loop3A_167 = tpu.vector_load %arg10[%parallel_loop3A_165, %parallel_loop3A_166] {strides = array<i32>} : memref<8x128xf32, #tpu.memory_space<vmem>>, vector<16xf32>,
        tpu.vector_store %arg10[%parallel_loop3A_165, %parallel_loop3A_166], %parallel_loop3A_149 {strides = array<i32>} : memref<8x128xf32, #tpu.memory_space<vmem>>, vector<16xf32>,
        %parallel_loop3A_168 = arith.constant 16 : i32
        %parallel_loop3A_169 = arith.muli %parallel_loop3A_119, %parallel_loop3A_168 : i32
        %parallel_loop3A_170 = arith.constant 2 : i32
        %parallel_loop3A_171 = arith.index_cast %parallel_loop3A_170 : i32 to index
        %parallel_loop3A_172 = arith.index_cast %parallel_loop3A_169 : i32 to index
        %parallel_loop3A_173 = tpu.vector_load %arg10[%parallel_loop3A_171, %parallel_loop3A_172] {strides = array<i32>} : memref<8x128xf32, #tpu.memory_space<vmem>>, vector<16xf32>,
        tpu.vector_store %arg10[%parallel_loop3A_171, %parallel_loop3A_172], %parallel_loop3A_150 {strides = array<i32>} : memref<8x128xf32, #tpu.memory_space<vmem>>, vector<16xf32>,
        %parallel_loop3A_174 = arith.constant 16 : i32
        %parallel_loop3A_175 = arith.muli %parallel_loop3A_119, %parallel_loop3A_174 : i32
        %parallel_loop3A_176 = arith.constant 3 : i32
        %parallel_loop3A_177 = arith.index_cast %parallel_loop3A_176 : i32 to index
        %parallel_loop3A_178 = arith.index_cast %parallel_loop3A_175 : i32 to index
        %parallel_loop3A_179 = tpu.vector_load %arg10[%parallel_loop3A_177, %parallel_loop3A_178] {strides = array<i32>} : memref<8x128xf32, #tpu.memory_space<vmem>>, vector<16xf32>,
        tpu.vector_store %arg10[%parallel_loop3A_177, %parallel_loop3A_178], %parallel_loop3A_151 {strides = array<i32>} : memref<8x128xf32, #tpu.memory_space<vmem>>, vector<16xf32>,
        %parallel_loop3A_180 = arith.constant 16 : i32
        %parallel_loop3A_181 = arith.muli %parallel_loop3A_119, %parallel_loop3A_180 : i32
        %parallel_loop3A_182 = arith.constant 4 : i32
        %parallel_loop3A_183 = arith.index_cast %parallel_loop3A_182 : i32 to index
        %parallel_loop3A_184 = arith.index_cast %parallel_loop3A_181 : i32 to index
        %parallel_loop3A_185 = tpu.vector_load %arg10[%parallel_loop3A_183, %parallel_loop3A_184] {strides = array<i32>} : memref<8x128xf32, #tpu.memory_space<vmem>>, vector<16xf32>,
        tpu.vector_store %arg10[%parallel_loop3A_183, %parallel_loop3A_184], %parallel_loop3A_152 {strides = array<i32>} : memref<8x128xf32, #tpu.memory_space<vmem>>, vector<16xf32>,
        %parallel_loop3A_186 = arith.constant 16 : i32
        %parallel_loop3A_187 = arith.muli %parallel_loop3A_119, %parallel_loop3A_186 : i32
        %parallel_loop3A_188 = arith.constant 5 : i32
        %parallel_loop3A_189 = arith.index_cast %parallel_loop3A_188 : i32 to index
        %parallel_loop3A_190 = arith.index_cast %parallel_loop3A_187 : i32 to index
        %parallel_loop3A_191 = tpu.vector_load %arg10[%parallel_loop3A_189, %parallel_loop3A_190] {strides = array<i32>} : memref<8x128xf32, #tpu.memory_space<vmem>>, vector<16xf32>,
        tpu.vector_store %arg10[%parallel_loop3A_189, %parallel_loop3A_190], %parallel_loop3A_153 {strides = array<i32>} : memref<8x128xf32, #tpu.memory_space<vmem>>, vector<16xf32>,
        %parallel_loop3A_192 = arith.constant 16 : i32
        %parallel_loop3A_193 = arith.muli %parallel_loop3A_119, %parallel_loop3A_192 : i32
        %parallel_loop3A_194 = arith.constant 6 : i32
        %parallel_loop3A_195 = arith.index_cast %parallel_loop3A_194 : i32 to index
        %parallel_loop3A_196 = arith.index_cast %parallel_loop3A_193 : i32 to index
        %parallel_loop3A_197 = tpu.vector_load %arg10[%parallel_loop3A_195, %parallel_loop3A_196] {strides = array<i32>} : memref<8x128xf32, #tpu.memory_space<vmem>>, vector<16xf32>,
        tpu.vector_store %arg10[%parallel_loop3A_195, %parallel_loop3A_196], %parallel_loop3A_154 {strides = array<i32>} : memref<8x128xf32, #tpu.memory_space<vmem>>, vector<16xf32>,
        %parallel_loop3A_198 = arith.constant 16 : i32
        %parallel_loop3A_199 = arith.muli %parallel_loop3A_119, %parallel_loop3A_198 : i32
        %parallel_loop3A_200 = arith.constant 7 : i32
        %parallel_loop3A_201 = arith.index_cast %parallel_loop3A_200 : i32 to index
        %parallel_loop3A_202 = arith.index_cast %parallel_loop3A_199 : i32 to index
        %parallel_loop3A_203 = tpu.vector_load %arg10[%parallel_loop3A_201, %parallel_loop3A_202] {strides = array<i32>} : memref<8x128xf32, #tpu.memory_space<vmem>>, vector<16xf32>,
        tpu.vector_store %arg10[%parallel_loop3A_201, %parallel_loop3A_202], %parallel_loop3A_155 {strides = array<i32>} : memref<8x128xf32, #tpu.memory_space<vmem>>, vector<16xf32>,
      } {sc.loop_unroll_factor = 8 : i64, sc.parallel_access}
      %dma_wait3A_86 = tpu.memref_slice %arg4[%mul3A_57, %add3A_62] : memref<64x16384xf32, #tpu.memory_space<hbm>> -> memref<8x128xf32, #tpu.memory_space<hbm>>
      %dma_wait3A_87 = tpu.memref_slice %arg4[%mul3A_57, %add3A_62] : memref<64x16384xf32, #tpu.memory_space<hbm>> -> memref<8x128xf32, #tpu.memory_space<hbm>>
      tpu.wait_dma2 semaphore(%arg11 : memref<!tpu.dma_semaphore, #tpu.memory_space<semaphore_mem>>) src(%arg7 : memref<8x128xf32, #tpu.memory_space<vmem>>) dst(%dma_wait3A_87 : memref<8x128xf32, #tpu.memory_space<hbm>>)
      %dma_wait3A_88 = tpu.memref_slice %arg4[%mul3A_68, %add3A_73] : memref<64x16384xf32, #tpu.memory_space<hbm>> -> memref<8x128xf32, #tpu.memory_space<hbm>>
      %dma_wait3A_89 = tpu.memref_slice %arg4[%mul3A_68, %add3A_73] : memref<64x16384xf32, #tpu.memory_space<hbm>> -> memref<8x128xf32, #tpu.memory_space<hbm>>
      tpu.wait_dma2 semaphore(%arg12 : memref<!tpu.dma_semaphore, #tpu.memory_space<semaphore_mem>>) src(%arg8 : memref<8x128xf32, #tpu.memory_space<vmem>>) dst(%dma_wait3A_89 : memref<8x128xf32, #tpu.memory_space<hbm>>)
      %add3A_90 = arith.constant 2 : i32
      %add3A_91 = arith.addi %mul3A_55, %add3A_90 : i32
      %mul3A_92 = arith.constant 8 : i32
      %mul3A_93 = arith.muli %select_n3A_9, %mul3A_92 : i32
      %mul3A_94 = arith.constant 4096 : i32
      %mul3A_95 = arith.muli %select_n3A_30, %mul3A_94 : i32
      %mul3A_96 = arith.constant 128 : i32
      %mul3A_97 = arith.muli %add3A_91, %mul3A_96 : i32
      %add3A_98 = arith.addi %mul3A_95, %mul3A_97 : i32
      %dma_start3A_99 = tpu.memref_slice %arg4[%mul3A_93, %add3A_98] : memref<64x16384xf32, #tpu.memory_space<hbm>> -> memref<8x128xf32, #tpu.memory_space<hbm>>
      %dma_start3A_100 = tpu.memref_slice %arg4[%mul3A_93, %add3A_98] : memref<64x16384xf32, #tpu.memory_space<hbm>> -> memref<8x128xf32, #tpu.memory_space<hbm>>
      tpu.enqueue_dma source(%arg9 : memref<8x128xf32, #tpu.memory_space<vmem>>) target(%dma_start3A_100 : memref<8x128xf32, #tpu.memory_space<hbm>>) target_semaphore(%arg13 : memref<!tpu.dma_semaphore, #tpu.memory_space<semaphore_mem>>)
      %add3A_101 = arith.constant 3 : i32
      %add3A_102 = arith.addi %mul3A_55, %add3A_101 : i32
      %mul3A_103 = arith.constant 8 : i32
      %mul3A_104 = arith.muli %select_n3A_9, %mul3A_103 : i32
      %mul3A_105 = arith.constant 4096 : i32
      %mul3A_106 = arith.muli %select_n3A_30, %mul3A_105 : i32
      %mul3A_107 = arith.constant 128 : i32
      %mul3A_108 = arith.muli %add3A_102, %mul3A_107 : i32
      %add3A_109 = arith.addi %mul3A_106, %mul3A_108 : i32
      %dma_start3A_110 = tpu.memref_slice %arg4[%mul3A_104, %add3A_109] : memref<64x16384xf32, #tpu.memory_space<hbm>> -> memref<8x128xf32, #tpu.memory_space<hbm>>
      %dma_start3A_111 = tpu.memref_slice %arg4[%mul3A_104, %add3A_109] : memref<64x16384xf32, #tpu.memory_space<hbm>> -> memref<8x128xf32, #tpu.memory_space<hbm>>
      tpu.enqueue_dma source(%arg10 : memref<8x128xf32, #tpu.memory_space<vmem>>) target(%dma_start3A_111 : memref<8x128xf32, #tpu.memory_space<hbm>>) target_semaphore(%arg14 : memref<!tpu.dma_semaphore, #tpu.memory_space<semaphore_mem>>)
      %lt3A_112 = arith.constant 7 : i32
      %lt3A_113 = arith.cmpi slt, %scan3A_53, %lt3A_112 : i32
      %convert_element_type3A = arith.extui %lt3A_113 : i1 to i32
      %cond3A = arith.constant 0 : i32
      %cond3A_114 = arith.cmpi ne, %convert_element_type3A, %cond3A : i32
      scf.if %cond3A_114 {
        %add3A_119 = arith.constant 4 : i32
        %add3A_120 = arith.addi %mul3A_55, %add3A_119 : i32
        %parallel_loop3A_121 = arith.constant 0 : i32
        %parallel_loop3A_122 = arith.constant 8 : i32
        %parallel_loop3A_123 = arith.constant 1 : i32
        scf.for %parallel_loop3A_129 = %parallel_loop3A_121 to %parallel_loop3A_122 step %parallel_loop3A_123  : i32 {
          %parallel_loop3A_130 = arith.constant 128 : i32
          %parallel_loop3A_131 = arith.muli %add3A_120, %parallel_loop3A_130 : i32
          %parallel_loop3A_132 = arith.constant 16 : i32
          %parallel_loop3A_133 = arith.muli %parallel_loop3A_129, %parallel_loop3A_132 : i32
          %parallel_loop3A_134 = arith.addi %parallel_loop3A_131, %parallel_loop3A_133 : i32
          %parallel_loop3A_135 = arith.index_cast %parallel_loop3A_134 : i32 to index
          %parallel_loop3A_136 = tpu.vector_load %arg6[%parallel_loop3A_135] {strides = array<i32>} : memref<4096xi32, #tpu.memory_space<vmem>>, vector<16xi32>,
          %parallel_loop3A_137 = arith.constant 1008 : i32
          %parallel_loop3A_138 = vector.broadcast %parallel_loop3A_137 : i32 to vector<16xi32>
          %parallel_loop3A_139 = arith.addi %parallel_loop3A_136, %parallel_loop3A_138 : vector<16xi32>
          %parallel_loop3A_140 = arith.constant 2016 : i32
          %parallel_loop3A_141 = vector.broadcast %parallel_loop3A_140 : i32 to vector<16xi32>
          %parallel_loop3A_142 = arith.addi %parallel_loop3A_136, %parallel_loop3A_141 : vector<16xi32>
          %parallel_loop3A_143 = arith.constant 3024 : i32
          %parallel_loop3A_144 = vector.broadcast %parallel_loop3A_143 : i32 to vector<16xi32>
          %parallel_loop3A_145 = arith.addi %parallel_loop3A_136, %parallel_loop3A_144 : vector<16xi32>
          %parallel_loop3A_146 = arith.constant 4032 : i32
          %parallel_loop3A_147 = vector.broadcast %parallel_loop3A_146 : i32 to vector<16xi32>
          %parallel_loop3A_148 = arith.addi %parallel_loop3A_136, %parallel_loop3A_147 : vector<16xi32>
          %parallel_loop3A_149 = arith.constant 5040 : i32
          %parallel_loop3A_150 = vector.broadcast %parallel_loop3A_149 : i32 to vector<16xi32>
          %parallel_loop3A_151 = arith.addi %parallel_loop3A_136, %parallel_loop3A_150 : vector<16xi32>
          %parallel_loop3A_152 = arith.constant 6048 : i32
          %parallel_loop3A_153 = vector.broadcast %parallel_loop3A_152 : i32 to vector<16xi32>
          %parallel_loop3A_154 = arith.addi %parallel_loop3A_136, %parallel_loop3A_153 : vector<16xi32>
          %parallel_loop3A_155 = arith.constant 7056 : i32
          %parallel_loop3A_156 = vector.broadcast %parallel_loop3A_155 : i32 to vector<16xi32>
          %parallel_loop3A_157 = arith.addi %parallel_loop3A_136, %parallel_loop3A_156 : vector<16xi32>
          %parallel_loop3A_158 = tpu.vector_load_idx %arg5[%parallel_loop3A_136] : memref<8064xf32, #tpu.memory_space<vmem>>[vector<16xi32>], vector<16xf32>,
          %parallel_loop3A_159 = tpu.vector_load_idx %arg5[%parallel_loop3A_139] : memref<8064xf32, #tpu.memory_space<vmem>>[vector<16xi32>], vector<16xf32>,
          %parallel_loop3A_160 = tpu.vector_load_idx %arg5[%parallel_loop3A_142] : memref<8064xf32, #tpu.memory_space<vmem>>[vector<16xi32>], vector<16xf32>,
          %parallel_loop3A_161 = tpu.vector_load_idx %arg5[%parallel_loop3A_145] : memref<8064xf32, #tpu.memory_space<vmem>>[vector<16xi32>], vector<16xf32>,
          %parallel_loop3A_162 = tpu.vector_load_idx %arg5[%parallel_loop3A_148] : memref<8064xf32, #tpu.memory_space<vmem>>[vector<16xi32>], vector<16xf32>,
          %parallel_loop3A_163 = tpu.vector_load_idx %arg5[%parallel_loop3A_151] : memref<8064xf32, #tpu.memory_space<vmem>>[vector<16xi32>], vector<16xf32>,
          %parallel_loop3A_164 = tpu.vector_load_idx %arg5[%parallel_loop3A_154] : memref<8064xf32, #tpu.memory_space<vmem>>[vector<16xi32>], vector<16xf32>,
          %parallel_loop3A_165 = tpu.vector_load_idx %arg5[%parallel_loop3A_157] : memref<8064xf32, #tpu.memory_space<vmem>>[vector<16xi32>], vector<16xf32>,
          %parallel_loop3A_166 = arith.constant 16 : i32
          %parallel_loop3A_167 = arith.muli %parallel_loop3A_129, %parallel_loop3A_166 : i32
          %parallel_loop3A_168 = arith.constant 0 : i32
          %parallel_loop3A_169 = arith.index_cast %parallel_loop3A_168 : i32 to index
          %parallel_loop3A_170 = arith.index_cast %parallel_loop3A_167 : i32 to index
          %parallel_loop3A_171 = tpu.vector_load %arg7[%parallel_loop3A_169, %parallel_loop3A_170] {strides = array<i32>} : memref<8x128xf32, #tpu.memory_space<vmem>>, vector<16xf32>,
          tpu.vector_store %arg7[%parallel_loop3A_169, %parallel_loop3A_170], %parallel_loop3A_158 {strides = array<i32>} : memref<8x128xf32, #tpu.memory_space<vmem>>, vector<16xf32>,
          %parallel_loop3A_172 = arith.constant 16 : i32
          %parallel_loop3A_173 = arith.muli %parallel_loop3A_129, %parallel_loop3A_172 : i32
          %parallel_loop3A_174 = arith.constant 1 : i32
          %parallel_loop3A_175 = arith.index_cast %parallel_loop3A_174 : i32 to index
          %parallel_loop3A_176 = arith.index_cast %parallel_loop3A_173 : i32 to index
          %parallel_loop3A_177 = tpu.vector_load %arg7[%parallel_loop3A_175, %parallel_loop3A_176] {strides = array<i32>} : memref<8x128xf32, #tpu.memory_space<vmem>>, vector<16xf32>,
          tpu.vector_store %arg7[%parallel_loop3A_175, %parallel_loop3A_176], %parallel_loop3A_159 {strides = array<i32>} : memref<8x128xf32, #tpu.memory_space<vmem>>, vector<16xf32>,
          %parallel_loop3A_178 = arith.constant 16 : i32
          %parallel_loop3A_179 = arith.muli %parallel_loop3A_129, %parallel_loop3A_178 : i32
          %parallel_loop3A_180 = arith.constant 2 : i32
          %parallel_loop3A_181 = arith.index_cast %parallel_loop3A_180 : i32 to index
          %parallel_loop3A_182 = arith.index_cast %parallel_loop3A_179 : i32 to index
          %parallel_loop3A_183 = tpu.vector_load %arg7[%parallel_loop3A_181, %parallel_loop3A_182] {strides = array<i32>} : memref<8x128xf32, #tpu.memory_space<vmem>>, vector<16xf32>,
          tpu.vector_store %arg7[%parallel_loop3A_181, %parallel_loop3A_182], %parallel_loop3A_160 {strides = array<i32>} : memref<8x128xf32, #tpu.memory_space<vmem>>, vector<16xf32>,
          %parallel_loop3A_184 = arith.constant 16 : i32
          %parallel_loop3A_185 = arith.muli %parallel_loop3A_129, %parallel_loop3A_184 : i32
          %parallel_loop3A_186 = arith.constant 3 : i32
          %parallel_loop3A_187 = arith.index_cast %parallel_loop3A_186 : i32 to index
          %parallel_loop3A_188 = arith.index_cast %parallel_loop3A_185 : i32 to index
          %parallel_loop3A_189 = tpu.vector_load %arg7[%parallel_loop3A_187, %parallel_loop3A_188] {strides = array<i32>} : memref<8x128xf32, #tpu.memory_space<vmem>>, vector<16xf32>,
          tpu.vector_store %arg7[%parallel_loop3A_187, %parallel_loop3A_188], %parallel_loop3A_161 {strides = array<i32>} : memref<8x128xf32, #tpu.memory_space<vmem>>, vector<16xf32>,
          %parallel_loop3A_190 = arith.constant 16 : i32
          %parallel_loop3A_191 = arith.muli %parallel_loop3A_129, %parallel_loop3A_190 : i32
          %parallel_loop3A_192 = arith.constant 4 : i32
          %parallel_loop3A_193 = arith.index_cast %parallel_loop3A_192 : i32 to index
          %parallel_loop3A_194 = arith.index_cast %parallel_loop3A_191 : i32 to index
          %parallel_loop3A_195 = tpu.vector_load %arg7[%parallel_loop3A_193, %parallel_loop3A_194] {strides = array<i32>} : memref<8x128xf32, #tpu.memory_space<vmem>>, vector<16xf32>,
          tpu.vector_store %arg7[%parallel_loop3A_193, %parallel_loop3A_194], %parallel_loop3A_162 {strides = array<i32>} : memref<8x128xf32, #tpu.memory_space<vmem>>, vector<16xf32>,
          %parallel_loop3A_196 = arith.constant 16 : i32
          %parallel_loop3A_197 = arith.muli %parallel_loop3A_129, %parallel_loop3A_196 : i32
          %parallel_loop3A_198 = arith.constant 5 : i32
          %parallel_loop3A_199 = arith.index_cast %parallel_loop3A_198 : i32 to index
          %parallel_loop3A_200 = arith.index_cast %parallel_loop3A_197 : i32 to index
          %parallel_loop3A_201 = tpu.vector_load %arg7[%parallel_loop3A_199, %parallel_loop3A_200] {strides = array<i32>} : memref<8x128xf32, #tpu.memory_space<vmem>>, vector<16xf32>,
          tpu.vector_store %arg7[%parallel_loop3A_199, %parallel_loop3A_200], %parallel_loop3A_163 {strides = array<i32>} : memref<8x128xf32, #tpu.memory_space<vmem>>, vector<16xf32>,
          %parallel_loop3A_202 = arith.constant 16 : i32
          %parallel_loop3A_203 = arith.muli %parallel_loop3A_129, %parallel_loop3A_202 : i32
          %parallel_loop3A_204 = arith.constant 6 : i32
          %parallel_loop3A_205 = arith.index_cast %parallel_loop3A_204 : i32 to index
          %parallel_loop3A_206 = arith.index_cast %parallel_loop3A_203 : i32 to index
          %parallel_loop3A_207 = tpu.vector_load %arg7[%parallel_loop3A_205, %parallel_loop3A_206] {strides = array<i32>} : memref<8x128xf32, #tpu.memory_space<vmem>>, vector<16xf32>,
          tpu.vector_store %arg7[%parallel_loop3A_205, %parallel_loop3A_206], %parallel_loop3A_164 {strides = array<i32>} : memref<8x128xf32, #tpu.memory_space<vmem>>, vector<16xf32>,
          %parallel_loop3A_208 = arith.constant 16 : i32
          %parallel_loop3A_209 = arith.muli %parallel_loop3A_129, %parallel_loop3A_208 : i32
          %parallel_loop3A_210 = arith.constant 7 : i32
          %parallel_loop3A_211 = arith.index_cast %parallel_loop3A_210 : i32 to index
          %parallel_loop3A_212 = arith.index_cast %parallel_loop3A_209 : i32 to index
          %parallel_loop3A_213 = tpu.vector_load %arg7[%parallel_loop3A_211, %parallel_loop3A_212] {strides = array<i32>} : memref<8x128xf32, #tpu.memory_space<vmem>>, vector<16xf32>,
          tpu.vector_store %arg7[%parallel_loop3A_211, %parallel_loop3A_212], %parallel_loop3A_165 {strides = array<i32>} : memref<8x128xf32, #tpu.memory_space<vmem>>, vector<16xf32>,
        } {sc.loop_unroll_factor = 8 : i64, sc.parallel_access}
        %add3A_124 = arith.constant 5 : i32
        %add3A_125 = arith.addi %mul3A_55, %add3A_124 : i32
        %parallel_loop3A_126 = arith.constant 0 : i32
        %parallel_loop3A_127 = arith.constant 8 : i32
        %parallel_loop3A_128 = arith.constant 1 : i32
        scf.for %parallel_loop3A_129 = %parallel_loop3A_126 to %parallel_loop3A_127 step %parallel_loop3A_128  : i32 {
          %parallel_loop3A_130 = arith.constant 128 : i32
          %parallel_loop3A_131 = arith.muli %add3A_125, %parallel_loop3A_130 : i32
          %parallel_loop3A_132 = arith.constant 16 : i32
          %parallel_loop3A_133 = arith.muli %parallel_loop3A_129, %parallel_loop3A_132 : i32
          %parallel_loop3A_134 = arith.addi %parallel_loop3A_131, %parallel_loop3A_133 : i32
          %parallel_loop3A_135 = arith.index_cast %parallel_loop3A_134 : i32 to index
          %parallel_loop3A_136 = tpu.vector_load %arg6[%parallel_loop3A_135] {strides = array<i32>} : memref<4096xi32, #tpu.memory_space<vmem>>, vector<16xi32>,
          %parallel_loop3A_137 = arith.constant 1008 : i32
          %parallel_loop3A_138 = vector.broadcast %parallel_loop3A_137 : i32 to vector<16xi32>
          %parallel_loop3A_139 = arith.addi %parallel_loop3A_136, %parallel_loop3A_138 : vector<16xi32>
          %parallel_loop3A_140 = arith.constant 2016 : i32
          %parallel_loop3A_141 = vector.broadcast %parallel_loop3A_140 : i32 to vector<16xi32>
          %parallel_loop3A_142 = arith.addi %parallel_loop3A_136, %parallel_loop3A_141 : vector<16xi32>
          %parallel_loop3A_143 = arith.constant 3024 : i32
          %parallel_loop3A_144 = vector.broadcast %parallel_loop3A_143 : i32 to vector<16xi32>
          %parallel_loop3A_145 = arith.addi %parallel_loop3A_136, %parallel_loop3A_144 : vector<16xi32>
          %parallel_loop3A_146 = arith.constant 4032 : i32
          %parallel_loop3A_147 = vector.broadcast %parallel_loop3A_146 : i32 to vector<16xi32>
          %parallel_loop3A_148 = arith.addi %parallel_loop3A_136, %parallel_loop3A_147 : vector<16xi32>
          %parallel_loop3A_149 = arith.constant 5040 : i32
          %parallel_loop3A_150 = vector.broadcast %parallel_loop3A_149 : i32 to vector<16xi32>
          %parallel_loop3A_151 = arith.addi %parallel_loop3A_136, %parallel_loop3A_150 : vector<16xi32>
          %parallel_loop3A_152 = arith.constant 6048 : i32
          %parallel_loop3A_153 = vector.broadcast %parallel_loop3A_152 : i32 to vector<16xi32>
          %parallel_loop3A_154 = arith.addi %parallel_loop3A_136, %parallel_loop3A_153 : vector<16xi32>
          %parallel_loop3A_155 = arith.constant 7056 : i32
          %parallel_loop3A_156 = vector.broadcast %parallel_loop3A_155 : i32 to vector<16xi32>
          %parallel_loop3A_157 = arith.addi %parallel_loop3A_136, %parallel_loop3A_156 : vector<16xi32>
          %parallel_loop3A_158 = tpu.vector_load_idx %arg5[%parallel_loop3A_136] : memref<8064xf32, #tpu.memory_space<vmem>>[vector<16xi32>], vector<16xf32>,
          %parallel_loop3A_159 = tpu.vector_load_idx %arg5[%parallel_loop3A_139] : memref<8064xf32, #tpu.memory_space<vmem>>[vector<16xi32>], vector<16xf32>,
          %parallel_loop3A_160 = tpu.vector_load_idx %arg5[%parallel_loop3A_142] : memref<8064xf32, #tpu.memory_space<vmem>>[vector<16xi32>], vector<16xf32>,
          %parallel_loop3A_161 = tpu.vector_load_idx %arg5[%parallel_loop3A_145] : memref<8064xf32, #tpu.memory_space<vmem>>[vector<16xi32>], vector<16xf32>,
          %parallel_loop3A_162 = tpu.vector_load_idx %arg5[%parallel_loop3A_148] : memref<8064xf32, #tpu.memory_space<vmem>>[vector<16xi32>], vector<16xf32>,
          %parallel_loop3A_163 = tpu.vector_load_idx %arg5[%parallel_loop3A_151] : memref<8064xf32, #tpu.memory_space<vmem>>[vector<16xi32>], vector<16xf32>,
          %parallel_loop3A_164 = tpu.vector_load_idx %arg5[%parallel_loop3A_154] : memref<8064xf32, #tpu.memory_space<vmem>>[vector<16xi32>], vector<16xf32>,
          %parallel_loop3A_165 = tpu.vector_load_idx %arg5[%parallel_loop3A_157] : memref<8064xf32, #tpu.memory_space<vmem>>[vector<16xi32>], vector<16xf32>,
          %parallel_loop3A_166 = arith.constant 16 : i32
          %parallel_loop3A_167 = arith.muli %parallel_loop3A_129, %parallel_loop3A_166 : i32
          %parallel_loop3A_168 = arith.constant 0 : i32
          %parallel_loop3A_169 = arith.index_cast %parallel_loop3A_168 : i32 to index
          %parallel_loop3A_170 = arith.index_cast %parallel_loop3A_167 : i32 to index
          %parallel_loop3A_171 = tpu.vector_load %arg8[%parallel_loop3A_169, %parallel_loop3A_170] {strides = array<i32>} : memref<8x128xf32, #tpu.memory_space<vmem>>, vector<16xf32>,
          tpu.vector_store %arg8[%parallel_loop3A_169, %parallel_loop3A_170], %parallel_loop3A_158 {strides = array<i32>} : memref<8x128xf32, #tpu.memory_space<vmem>>, vector<16xf32>,
          %parallel_loop3A_172 = arith.constant 16 : i32
          %parallel_loop3A_173 = arith.muli %parallel_loop3A_129, %parallel_loop3A_172 : i32
          %parallel_loop3A_174 = arith.constant 1 : i32
          %parallel_loop3A_175 = arith.index_cast %parallel_loop3A_174 : i32 to index
          %parallel_loop3A_176 = arith.index_cast %parallel_loop3A_173 : i32 to index
          %parallel_loop3A_177 = tpu.vector_load %arg8[%parallel_loop3A_175, %parallel_loop3A_176] {strides = array<i32>} : memref<8x128xf32, #tpu.memory_space<vmem>>, vector<16xf32>,
          tpu.vector_store %arg8[%parallel_loop3A_175, %parallel_loop3A_176], %parallel_loop3A_159 {strides = array<i32>} : memref<8x128xf32, #tpu.memory_space<vmem>>, vector<16xf32>,
          %parallel_loop3A_178 = arith.constant 16 : i32
          %parallel_loop3A_179 = arith.muli %parallel_loop3A_129, %parallel_loop3A_178 : i32
          %parallel_loop3A_180 = arith.constant 2 : i32
          %parallel_loop3A_181 = arith.index_cast %parallel_loop3A_180 : i32 to index
          %parallel_loop3A_182 = arith.index_cast %parallel_loop3A_179 : i32 to index
          %parallel_loop3A_183 = tpu.vector_load %arg8[%parallel_loop3A_181, %parallel_loop3A_182] {strides = array<i32>} : memref<8x128xf32, #tpu.memory_space<vmem>>, vector<16xf32>,
          tpu.vector_store %arg8[%parallel_loop3A_181, %parallel_loop3A_182], %parallel_loop3A_160 {strides = array<i32>} : memref<8x128xf32, #tpu.memory_space<vmem>>, vector<16xf32>,
          %parallel_loop3A_184 = arith.constant 16 : i32
          %parallel_loop3A_185 = arith.muli %parallel_loop3A_129, %parallel_loop3A_184 : i32
          %parallel_loop3A_186 = arith.constant 3 : i32
          %parallel_loop3A_187 = arith.index_cast %parallel_loop3A_186 : i32 to index
          %parallel_loop3A_188 = arith.index_cast %parallel_loop3A_185 : i32 to index
          %parallel_loop3A_189 = tpu.vector_load %arg8[%parallel_loop3A_187, %parallel_loop3A_188] {strides = array<i32>} : memref<8x128xf32, #tpu.memory_space<vmem>>, vector<16xf32>,
          tpu.vector_store %arg8[%parallel_loop3A_187, %parallel_loop3A_188], %parallel_loop3A_161 {strides = array<i32>} : memref<8x128xf32, #tpu.memory_space<vmem>>, vector<16xf32>,
          %parallel_loop3A_190 = arith.constant 16 : i32
          %parallel_loop3A_191 = arith.muli %parallel_loop3A_129, %parallel_loop3A_190 : i32
          %parallel_loop3A_192 = arith.constant 4 : i32
          %parallel_loop3A_193 = arith.index_cast %parallel_loop3A_192 : i32 to index
          %parallel_loop3A_194 = arith.index_cast %parallel_loop3A_191 : i32 to index
          %parallel_loop3A_195 = tpu.vector_load %arg8[%parallel_loop3A_193, %parallel_loop3A_194] {strides = array<i32>} : memref<8x128xf32, #tpu.memory_space<vmem>>, vector<16xf32>,
          tpu.vector_store %arg8[%parallel_loop3A_193, %parallel_loop3A_194], %parallel_loop3A_162 {strides = array<i32>} : memref<8x128xf32, #tpu.memory_space<vmem>>, vector<16xf32>,
          %parallel_loop3A_196 = arith.constant 16 : i32
          %parallel_loop3A_197 = arith.muli %parallel_loop3A_129, %parallel_loop3A_196 : i32
          %parallel_loop3A_198 = arith.constant 5 : i32
          %parallel_loop3A_199 = arith.index_cast %parallel_loop3A_198 : i32 to index
          %parallel_loop3A_200 = arith.index_cast %parallel_loop3A_197 : i32 to index
          %parallel_loop3A_201 = tpu.vector_load %arg8[%parallel_loop3A_199, %parallel_loop3A_200] {strides = array<i32>} : memref<8x128xf32, #tpu.memory_space<vmem>>, vector<16xf32>,
          tpu.vector_store %arg8[%parallel_loop3A_199, %parallel_loop3A_200], %parallel_loop3A_163 {strides = array<i32>} : memref<8x128xf32, #tpu.memory_space<vmem>>, vector<16xf32>,
          %parallel_loop3A_202 = arith.constant 16 : i32
          %parallel_loop3A_203 = arith.muli %parallel_loop3A_129, %parallel_loop3A_202 : i32
          %parallel_loop3A_204 = arith.constant 6 : i32
          %parallel_loop3A_205 = arith.index_cast %parallel_loop3A_204 : i32 to index
          %parallel_loop3A_206 = arith.index_cast %parallel_loop3A_203 : i32 to index
          %parallel_loop3A_207 = tpu.vector_load %arg8[%parallel_loop3A_205, %parallel_loop3A_206] {strides = array<i32>} : memref<8x128xf32, #tpu.memory_space<vmem>>, vector<16xf32>,
          tpu.vector_store %arg8[%parallel_loop3A_205, %parallel_loop3A_206], %parallel_loop3A_164 {strides = array<i32>} : memref<8x128xf32, #tpu.memory_space<vmem>>, vector<16xf32>,
          %parallel_loop3A_208 = arith.constant 16 : i32
          %parallel_loop3A_209 = arith.muli %parallel_loop3A_129, %parallel_loop3A_208 : i32
          %parallel_loop3A_210 = arith.constant 7 : i32
          %parallel_loop3A_211 = arith.index_cast %parallel_loop3A_210 : i32 to index
          %parallel_loop3A_212 = arith.index_cast %parallel_loop3A_209 : i32 to index
          %parallel_loop3A_213 = tpu.vector_load %arg8[%parallel_loop3A_211, %parallel_loop3A_212] {strides = array<i32>} : memref<8x128xf32, #tpu.memory_space<vmem>>, vector<16xf32>,
          tpu.vector_store %arg8[%parallel_loop3A_211, %parallel_loop3A_212], %parallel_loop3A_165 {strides = array<i32>} : memref<8x128xf32, #tpu.memory_space<vmem>>, vector<16xf32>,
        } {sc.loop_unroll_factor = 8 : i64, sc.parallel_access}
      } else {
      }
      %dma_wait3A_115 = tpu.memref_slice %arg4[%mul3A_93, %add3A_98] : memref<64x16384xf32, #tpu.memory_space<hbm>> -> memref<8x128xf32, #tpu.memory_space<hbm>>
      %dma_wait3A_116 = tpu.memref_slice %arg4[%mul3A_93, %add3A_98] : memref<64x16384xf32, #tpu.memory_space<hbm>> -> memref<8x128xf32, #tpu.memory_space<hbm>>
      tpu.wait_dma2 semaphore(%arg13 : memref<!tpu.dma_semaphore, #tpu.memory_space<semaphore_mem>>) src(%arg9 : memref<8x128xf32, #tpu.memory_space<vmem>>) dst(%dma_wait3A_116 : memref<8x128xf32, #tpu.memory_space<hbm>>)
      %dma_wait3A_117 = tpu.memref_slice %arg4[%mul3A_104, %add3A_109] : memref<64x16384xf32, #tpu.memory_space<hbm>> -> memref<8x128xf32, #tpu.memory_space<hbm>>
      %dma_wait3A_118 = tpu.memref_slice %arg4[%mul3A_104, %add3A_109] : memref<64x16384xf32, #tpu.memory_space<hbm>> -> memref<8x128xf32, #tpu.memory_space<hbm>>
      tpu.wait_dma2 semaphore(%arg14 : memref<!tpu.dma_semaphore, #tpu.memory_space<semaphore_mem>>) src(%arg10 : memref<8x128xf32, #tpu.memory_space<vmem>>) dst(%dma_wait3A_118 : memref<8x128xf32, #tpu.memory_space<hbm>>)
    }
    %scan3A_52 = arith.constant 8 : i32
    return
  }
}

</mosaic_0001>

<sc_bundles>
// kernel: kernel.3.cloned.1.call-start
scs
__scs_entry_jumppad:
0x0: {  	(pc) =	sbr.rel $0x88, $3  }
0x1: {  	(tag) =	ssettag $0x0;
	lr =	simm.s32 $0x1  }
0x2: {  	[smem:$0x3F9F] =	sst lr;
	_ =	strace $0xD0000000  }
0x3: {  	_ = 	snop  }
0x4: {  	_ = 	snop  }
0x5: {  	_ = 	snop  }
0x6: {  	_ = 	snop  }
0x7: {  	_ = 	snop  }
__scs_overlays_trampoline_lowered:
0x8: {  	[smem:$0x3FAE] =	sst s0  }
0x9: {  	[smem:$0x3FAF] =	sst s1  }
0xa: {  	[smem:$0x3FB0] =	sst s2  }
0xb: {  	[smem:$0x3FB1] =	sst s3  }
0xc: {  	[smem:$0x3FB2] =	sst s4  }
0xd: {  	[smem:$0x3FB3] =	sst s5  }
0xe: {  	[smem:$0x3FB4] =	sst s6  }
0xf: {  	[smem:$0x3FB5] =	sst s7  }
0x10: {  	[smem:$0x3FB6] =	sst s8  }
0x11: {  	[smem:$0x3FB7] =	sst s9;
	s0 =	simm.s32 @!p0 $0x0  }
0x12: {  	s1 =	sld [smem:$0x3F9D];
	s0 =	simm.s32 @p0 $0x1  }
0x13: {  	[smem:$0x3FB8] =	sst s0;
	s0 =	simm.s32 @!p1 $0x0  }
0x14: {  	s2 =	sld [smem:$0x3F9C];
	s0 =	simm.s32 @p1 $0x1  }
0x15: {  	[smem:$0x3FB9] =	sst s0;
	s0 =	simm.s32 @!p2 $0x0  }
0x16: {  	s3 =	sld [smem:$0x3FDB];
	s0 =	simm.s32 @p2 $0x1  }
0x17: {  	s4 =	simm.s32 $0x1BF5;
	[smem:$0x3FBB] =	sst s0  }
0x18: {  	s0 =	sld [smem:$0x3F9E];
	_ =	swait.ge [sflag:s4], $0x0  }
0x19: {  	s7 =	sld [smem:$0x3F9F]  }
0x1a: {  	s8 =	sadd.s32 $0xFFFFE003, lr  }
0x1b: {  	s9 =	sadd.s32 $0xFFFFFEF7, lr;
	s5 =	simm.s32 $0xFFFFFFFF;
	p2 =	slt.u32 s8, $0xFFFFF086  }
0x1c: {  	p1 =	slt.u32 s9, $0xF7A;
	s5 =	simm.s32 @!p2 $0x0  }
0x1d: {  	s5 =	simm.s32 @p1 $0x1;
	p0 =	seq.s32 s7, s2  }
0x1e: {  	s7 =	smul.u32 @!p0 $0xF7A, s2;
	p2 =	seq.s32 @!p0 s5, $0x0  }
0x1f: {  	s9 =	smul.u32 $0xF7A, s1;
	s8 =	simm.s32 @!p0 $0x1BF5;
	p2 =	por !p2, p0  }
0x20: {  	[sflag:s8] =	ssyncset.s32 @!p0 $0xFFFFF086;
	s6 =	sadd.s32 @!p0 s3, s7;
	s7 =	simm.s32 @!p0 $0x108  }
0x21: {  	s3 =	sadd.s32 s3, s9;
	s6 =	sadd.s32 @!p0 $0x88, s6;
	s7 =	simm.s32 @p2 $0x1082  }
0x22: {  	[simem:s7], [sflag:s8] =	dma.local @!p0 [hbm:s6], $0xF7A  }
0x23: {  	s9 =	sor.u32 $0xD0000000, s2;
	s6 =	simm.s32 $0x108;
	_ =	swait.ge @!p0 [sflag:s8], $0x0  }
0x24: {  	s3 =	sadd.s32 $0x88, s3;
	s6 =	simm.s32 @!p1 $0x1082;
	[sflag:s4] =	ssyncset.s32 $0xFFFFF086  }
0x25: {  	[simem:s6], [sflag:s4] =	dma.local [hbm:s3], $0xF7A  }
0x26: {  	[smem:$0x3F9F] =	sst s1;
	(tag) =	ssettag s2;
	_ =	strace s9  }
0x27: {  	s1 =	sld [smem:$0x3FAF]  }
0x28: {  	s2 =	sld [smem:$0x3FB0]  }
0x29: {  	s4 =	sld [smem:$0x3FB2]  }
0x2a: {  	p0 =	seq.s32 s5, $0x0;
	s5 =	sld [smem:$0x3FB3]  }
0x2b: {  	s6 =	sld [smem:$0x3FB4]  }
0x2c: {  	s7 =	sld [smem:$0x3FB5]  }
0x2d: {  	s3 =	simm.s32 $0x108;
	s8 =	sld [smem:$0x3FB6]  }
0x2e: {  	s3 =	simm.s32 @!p0 $0x1082;
	s9 =	sld [smem:$0x3FB7]  }
0x2f: {  	lr =	sadd.s32 s0, s3;
	s0 =	sld [smem:$0x3FAE]  }
0x30: {  	s3 =	sld [smem:$0x3FB1]  }
0x31: {  	[smem:$0x3FBA] =	sst s10  }
0x32: {  	s10 =	sld [smem:$0x3FB8];
	_ =	sdelay $0x3  }
0x33: {  	p0 =	seq.s32 s10, $0x1;
	s10 =	sld [smem:$0x3FBA];
	_ =	sdelay $0x3  }
0x34: {  	[smem:$0x3FBA] =	sst s10  }
0x35: {  	s10 =	sld [smem:$0x3FB9];
	_ =	sdelay $0x3  }
0x36: {  	p1 =	seq.s32 s10, $0x1;
	s10 =	sld [smem:$0x3FBA];
	_ =	sdelay $0x3  }
0x37: {  	[smem:$0x3FBA] =	sst s10  }
0x38: {  	s10 =	sld [smem:$0x3FBB]  }
0x39: {  	_ = 	snop;
	(pc) =	sbr.ind lr, $3  }
0x3a: {  	_ = 	snop  }
0x3b: {  	_ = 	snop  }
0x3c: {  	p2 =	seq.s32 s10, $0x1;
	s10 =	sld [smem:$0x3FBA]  }
0x3d: {  	_ =	shalt  }
0x3e: {  	_ =	shalt  }
0x3f: {  	_ =	shalt  }
0x40: {  	_ =	shalt  }
0x41: {  	_ =	shalt  }
0x42: {  	_ =	shalt  }
0x43: {  	_ =	shalt  }
0x44: {  	_ =	shalt  }
0x45: {  	_ =	shalt  }
0x46: {  	_ =	shalt  }
0x47: {  	_ =	shalt  }
0x48: {  	_ =	shalt  }
0x49: {  	_ =	shalt  }
0x4a: {  	_ =	shalt  }
0x4b: {  	_ =	shalt  }
0x4c: {  	_ =	shalt  }
0x4d: {  	_ =	shalt  }
0x4e: {  	_ =	shalt  }
0x4f: {  	_ =	shalt  }
0x50: {  	_ =	shalt  }
0x51: {  	_ =	shalt  }
0x52: {  	_ =	shalt  }
0x53: {  	_ =	shalt  }
0x54: {  	_ =	shalt  }
0x55: {  	_ =	shalt  }
0x56: {  	_ =	shalt  }
0x57: {  	_ =	shalt  }
0x58: {  	_ =	shalt  }
0x59: {  	_ =	shalt  }
0x5a: {  	_ =	shalt  }
0x5b: {  	_ =	shalt  }
0x5c: {  	_ =	shalt  }
0x5d: {  	_ =	shalt  }
0x5e: {  	_ =	shalt  }
0x5f: {  	_ =	shalt  }
0x60: {  	_ =	shalt  }
0x61: {  	_ =	shalt  }
0x62: {  	_ =	shalt  }
0x63: {  	_ =	shalt  }
0x64: {  	_ =	shalt  }
0x65: {  	_ =	shalt  }
0x66: {  	_ =	shalt  }
0x67: {  	_ =	shalt  }
0x68: {  	_ =	shalt  }
0x69: {  	_ =	shalt  }
0x6a: {  	_ =	shalt  }
0x6b: {  	_ =	shalt  }
0x6c: {  	_ =	shalt  }
0x6d: {  	_ =	shalt  }
0x6e: {  	_ =	shalt  }
0x6f: {  	_ =	shalt  }
0x70: {  	_ =	shalt  }
0x71: {  	_ =	shalt  }
0x72: {  	_ =	shalt  }
0x73: {  	_ =	shalt  }
0x74: {  	_ =	shalt  }
0x75: {  	_ =	shalt  }
0x76: {  	_ =	shalt  }
0x77: {  	_ =	shalt  }
0x78: {  	_ =	shalt  }
0x79: {  	_ =	shalt  }
0x7a: {  	_ =	shalt  }
0x7b: {  	_ =	shalt  }
0x7c: {  	_ =	shalt  }
0x7d: {  	_ =	shalt  }
0x7e: {  	_ =	shalt  }
0x7f: {  	_ =	shalt  }
0x80: {  	_ =	shalt  }
0x81: {  	_ =	shalt  }
0x82: {  	_ =	shalt  }
0x83: {  	_ =	shalt  }
0x84: {  	_ =	shalt  }
0x85: {  	_ =	shalt  }
0x86: {  	_ =	shalt  }
0x87: {  	_ =	shalt  }
.Lfunc_end0:
.L_simem_size_0:
called_computation_lowered:
.L_overlay_start_0:
0x88: {  	s2 =	sld [smem:$0x3FD9]  }
0x89: {  	s3 =	sld [smem:$0x3FFE];
	_ =	sdelay $0x1  }
0x8a: {  	s1 =	srdreg.scid  }
0x8b: {  	s0 =	sand.u32 $0x1, s1  }
0x8c: {  	s17 =	sshll.u32 s0, $0xA;
	s2 =	sadd.s32 s3, s2  }
0x8d: {  	s2 =	sadd.s32 s2, s17  }
0x8e: {  	[smem:$0x3FC6] =	sst s2  }
0x8f: {  	_ = 	snop  }
0x90: {  	s2 =	sld [smem:$0x3FC9]  }
0x91: {  	s18 =	sld [smem:$0x3FD0];
	(tm) =	ssettm $0x1  }
0x92: {  	s4 =	sld [smem:$0x3FFB];
	_ =	sdelay $0x3  }
0x93: {  	_ =	strace s4  }
0x94: {  	s4 =	sld [smem:$0x3FFC];
	_ =	sdelay $0x3  }
0x95: {  	_ =	strace s4  }
0x96: {  	s4 =	sld [smem:$0x3FFD];
	_ =	sdelay $0x3  }
0x97: {  	_ =	strace s4  }
0x98: {  	_ =	strace $0x8FFFFFFF  }
0x99: {  	s19 =	sld [smem:$0x3FDB];
	_ =	sdelay $0x1  }
0x9a: {  	s5 =	simm.s32 $_scs_section_size  }
0x9b: {  	s6 =	simm.s32 $_size__tile_overlayer_lowered;
	s7 =	simm.s32 $_tile_overlayer_lowered  }
0x9c: {  	s22 =	simm.s32 $0x1BFF;
	s21 =	sshll.u32 s7, $0x1;
	s4 =	sadd.s32 s5, s19  }
0x9d: {  	s8 =	simm.s32 $0x0;
	s20 =	sshll.u32 s6, $0x1;
	s6 =	sadd.s32 s21, s4  }
0x9e: {  	[timem:s8], [sflag:s22] =	dma.local [hbm:s6], s20  }
0x9f: {  	_ =	swait.ge [sflag:s22], s20  }
0xa0: {  	s5 =	ssub.s32 $0x0, s20;
	[sflag:s22] =	ssyncset.done $0x0  }
0xa1: {  	[sflag:s22] =	ssyncadd.s32 s5;
	_ =	sdelay $0x1  }
0xa2: {  	s23 =	simm.s32 $0x1B8B  }
0xa3: {  	_ =	swait.ge [sflag:s23], $0x1  }
0xa4: {  	[sflag:s23] =	ssyncset.done $0x0  }
0xa5: {  	s25 =	simm.s32 $0x1B8E;
	s24 =	sld [smem:$0x3FFE];
	[sflag:s23] =	ssyncadd.s32 $0xFFFFFFFF  }
0xa6: {  	s26 =	simm.s32 $execute0_lowered;
	[smem:$0x3FD2] =	sst s25  }
0xa7: {  	s6 =	sshll.u32 s26, $0x1;
	_ =	strace $0x80000046;
	[dreg:$0x1] =	wrdreg $0xFFFFFFFF  }
0xa8: {  	s28 =	simm.s32 $_size_execute0_lowered;
	s4 =	sadd.s32 s4, s6;
	[dreg:$0x0] =	wrdreg $0x0  }
0xa9: {  	s6 =	sshll.u32 s28, $0x1;
	[dreg:$0x2] =	wrdreg s4  }
0xaa: {  	[dreg:$0x3] =	wrdreg s6  }
0xab: {  	[dreg:$0x4] =	wrdreg $0xC0  }
0xac: {  	_ =	task [dreg:s8], $0x5FFFF  }
0xad: {  	[dreg:$0x1] =	wrdreg $0xFFFFFFFF  }
0xae: {  	[dreg:$0x0] =	wrdreg $0x60  }
0xaf: {  	[dreg:$0x2] =	wrdreg s2  }
0xb0: {  	[dreg:$0x3] =	wrdreg s24  }
0xb1: {  	[dreg:$0x4] =	wrdreg s18  }
0xb2: {  	[dreg:$0x5] =	wrdreg $0x9  }
0xb3: {  	_ =	task.clear_ibuf [dreg:s8], $0x6FFFF;
	_ =	strace $0x90000046  }
0xb4: {  	s29 =	simm.s32 $0x9;
	_ =	strace $0x80000048  }
0xb5: {  	_ =	swait.ge [sflag:s29], $0x1  }
0xb6: {  	[sflag:s29] =	ssyncadd.s32 $0xFFFFFFFF  }
0xb7: {  	_ =	strace $0x90000048  }
0xb8: {  	_ =	sfence  }
0xb9: {  	s30 =	sld [smem:$0x0];
	_ =	sdelay $0x2  }
0xba: {  	s31 =	sshll.u32 s1, $0xD;
	s1 =	sshrl.u32 s1, $0x2  }
0xbb: {  	s3 =	sand.u32 $0x4000, s31;
	s1 =	sadd.s32 s1, s30  }
0xbc: {  	s0 =	sor.u32 s3, s0;
	s1 =	sshll.u32 s1, $0x11  }
0xbd: {  	s0 =	sor.u32 s1, s0  }
0xbe: {  	s0 =	sadd.s32 $0x8F2B, s0  }
0xbf: {  	[sflag:s0] =	ssyncadd.remote.s32 $0x1  }
0xc0: {  	_ =	sfence.sel $0xFFFF  }
0xc1: {  	[dreg:$0x0] =	wrdreg $0xFFFFFFFF;
	(pc) =	sbr.abs _section_cstart, $3  }
0xc2: {  	[dreg:$0x1] =	wrdreg $0xFFFFFFFF  }
0xc3: {  	_ =	task.clear_ibuf [dreg:s8], $0x2FFFF;
	_ =	strace $0x9FFFFFFF  }
0xc4: {  	(tm) =	ssettm $0x7FFFFFFF  }
0xc5: {  	_ =	shalt  }
tec
execute0_lowered:
.L_overlay_start_1:
0x0: {  	(tag) =	ssettag $0x1  }
0x1: {  	s4 =	rddreg [dreg:$0x0]  }
0x2: {  	s0 =	stileid.u32;
	s3 =	rddreg [dreg:$0x1]  }
0x3: {  	s1 =	srdreg.scid;
	s5 =	rddreg [dreg:$0x2]  }
0x4: {  	s11 =	simm.s32 $0x3380;
	s12 =	simm.s32 $0x3780;
	s13 =	simm.s32 $0x3B80  }
0x5: {  	s14 =	simm.s32 $0x3;
	s15 =	simm.s32 $0x4;
	s16 =	simm.s32 $0x0  }
0x6: {  	s2 =	sshll.u32 s0, $0x1;
	s6 =	sand.u32 $0x1, s1;
	s1 =	rddreg [dreg:$0x3]  }
0x7: {  	s29 =	sand.u32 $0x3, s0;
	s30 =	sshrl.u32 s0, $0x2;
	s7 =	sand.u32 $0x6, s2  }
0x8: {  	s2 =	simm.s32 $0x0;
	s8 =	ssub.s32 $0x2, s6;
	s10 =	sshll.u32 s30, $0x9  }
0x9: {  	s31 =	sshll.u32 s30, $0xC;
	s7 =	sor.u32 s6, s7;
	[smem:$0x7FF] =	sst s2  }
0xa: {  	s9 =	sshrl.u32 s8, $0x1;
	s6 =	sshll.u32 s6, $0xE;
	s7 =	smul.u32 $0x3F0, s7  }
.Ltmp0:
0xb: {  	s4 =	sadd.s32 s4, s10;
	s10 =	simm.s32 $0x2F80;
	(pc) =	sbr.rel .LBB2_1-.Ltmp0, $4  }
0xc: {  	_ =	strace $0x80000047;
	s28 =	ssub.s32 s8, s9;
	s8 =	sshll.u32 s29, $0xF  }
0xd: {  	s9 =	simm.s32 $0x2;
	s5 =	sadd.s32 s8, s5;
	s8 =	simm.s32 $0x1  }
0xe: {  	s3 =	sadd.s32 s7, s3;
	s6 =	sadd.s32 s6, s5;
	s5 =	smax.u32 s28, $0x1  }
0xf: {  	s7 =	simm.s32 $0x1F80;
	s3 =	sadd.s32 $0x400, s3;
	s6 =	sadd.s32 s31, s6  }
.LBB2_5:
0x10: {  	s16 =	sadd.s32 $0x1, s16  }
0x11: {  	p0 =	sne.s32 s16, s5  }
.Ltmp1:
0x12: {  	_ = 	snop;
	(pc) =	sbr.rel @!p0 .LBB2_6-.Ltmp1, $1  }
0x13: {  	_ =	sdelay $0x3  }
.LBB2_1:
0x14: {  	[tilespmem:s2], [sflag:$0x1] =	stream.linear.gather [hbm4b:s3+s2], $0x1F80, $0x38;
	[tilespmem:$0x3F80] =	vst v63  }
0x15: {  	_ = 	snop  }
0x16: {  	[tilespmem:s7], [sflag:$0x2] =	stream.linear.gather [hbm4b:s4+s2], $0x1000, $0x38;
	[tilespmem:$0x3F80] =	vst v63  }
0x17: {  	_ =	swait.ge [sflag:s8], $0x1F80  }
0x18: {  	[sflag:s8] =	ssyncset.done $0x0  }
0x19: {  	[sflag:s8] =	ssyncadd.s32 $0xFFFFE080  }
0x1a: {  	_ =	swait.ge [sflag:s9], $0x1000  }
0x1b: {  	[sflag:s9] =	ssyncset.done $0x0  }
0x1c: {  	[sflag:s9] =	ssyncadd.s32 $0xFFFFF000  }
0x1d: {  	v0 =	vld [tilespmem:$0x1F80]  }
0x1e: {  	v7 =	vld [tilespmem:$0x1F90];
	_ =	sdelay $0x3  }
0x1f: {  	v15 =	vld [tilespmem:$0x1FA0];
	v1 =	vadd.s32 $0x3F0, v0  }
0x20: {  	v18 =	vld [tilespmem:$0x1FB0];
	v2 =	vadd.s32 $0x7E0, v0  }
0x21: {  	v63 =	vld [tilespmem:$0x1FC0];
	v3 =	vadd.s32 $0xBD0, v0  }
0x22: {  	v4 =	vadd.s32 $0xFC0, v0;
	v5 =	vld.idx.msk [tilespmem:v0+s2+$0x0], $0xffff  }
0x23: {  	v6 =	vadd.s32 $0x13B0, v0;
	v13 =	vld.idx.msk [tilespmem:v7+s2+$0x0], $0xffff  }
0x24: {  	v8 =	vadd.s32 $0x17A0, v0;
	v1 =	vld.idx.msk [tilespmem:v1+s2+$0x0], $0xffff  }
0x25: {  	v9 =	vadd.s32 $0x3F0, v7;
	v2 =	vld.idx.msk [tilespmem:v2+s2+$0x0], $0xffff  }
0x26: {  	v10 =	vadd.s32 $0x7E0, v7;
	v3 =	vld.idx.msk [tilespmem:v3+s2+$0x0], $0xffff  }
0x27: {  	v11 =	vadd.s32 $0xBD0, v7;
	v4 =	vld.idx.msk [tilespmem:v4+s2+$0x0], $0xffff  }
0x28: {  	v12 =	vadd.s32 $0xFC0, v7;
	v6 =	vld.idx.msk [tilespmem:v6+s2+$0x0], $0xffff  }
0x29: {  	v14 =	vadd.s32 $0x13B0, v7;
	v8 =	vld.idx.msk [tilespmem:v8+s2+$0x0], $0xffff  }
0x2a: {  	v16 =	vadd.s32 $0x17A0, v7;
	v9 =	vld.idx.msk [tilespmem:v9+s2+$0x0], $0xffff  }
0x2b: {  	v0 =	vadd.s32 $0x1B90, v0;
	v10 =	vld.idx.msk [tilespmem:v10+s2+$0x0], $0xffff  }
0x2c: {  	v7 =	vadd.s32 $0x1B90, v7;
	v11 =	vld.idx.msk [tilespmem:v11+s2+$0x0], $0xffff  }
0x2d: {  	v12 =	vld.idx.msk [tilespmem:v12+s2+$0x0], $0xffff  }
0x2e: {  	v45 =	vld.idx.msk [tilespmem:v14+s2+$0x0], $0xffff  }
0x2f: {  	v47 =	vld.idx.msk [tilespmem:v16+s2+$0x0], $0xffff  }
0x30: {  	v46 =	vadd.s32 $0x3F0, v15;
	v0 =	vld.idx.msk [tilespmem:v0+s2+$0x0], $0xffff;
	[tilespmem:$0x2F80] =	vst v5  }
0x31: {  	v48 =	vadd.s32 $0x7E0, v15;
	v49 =	vld.idx.msk [tilespmem:v7+s2+$0x0], $0xffff;
	[tilespmem:$0x2F90] =	vst v13  }
0x32: {  	v28 =	vld [tilespmem:$0x1FD0];
	v50 =	vadd.s32 $0xBD0, v15;
	[tilespmem:$0x3000] =	vst v1  }
0x33: {  	v19 =	vadd.s32 $0x17A0, v18;
	v17 =	vld.idx.msk [tilespmem:v15+s2+$0x0], $0xffff;
	[tilespmem:$0x3080] =	vst v2  }
0x34: {  	v57 =	vadd.s32 $0x3F0, v18;
	v61 =	vld.idx.msk [tilespmem:v18+s2+$0x0], $0xffff;
	[tilespmem:$0x3100] =	vst v3  }
0x35: {  	v62 =	vadd.s32 $0x13B0, v18;
	v14 =	vld.idx.msk [tilespmem:v46+s2+$0x0], $0xffff;
	[tilespmem:$0x3180] =	vst v4  }
0x36: {  	v51 =	vadd.s32 $0xFC0, v15;
	v55 =	vld.idx.msk [tilespmem:v48+s2+$0x0], $0xffff;
	[tilespmem:$0x3200] =	vst v6  }
0x37: {  	v52 =	vadd.s32 $0x13B0, v15;
	v56 =	vld.idx.msk [tilespmem:v50+s2+$0x0], $0xffff;
	[tilespmem:$0x3280] =	vst v8  }
0x38: {  	v53 =	vadd.s32 $0x17A0, v15;
	v22 =	vld.idx.msk [tilespmem:v19+s2+$0x0], $0xffff;
	[tilespmem:$0x3010] =	vst v9  }
0x39: {  	v54 =	vadd.s32 $0x1B90, v15;
	v7 =	vld.idx.msk [tilespmem:v57+s2+$0x0], $0xffff;
	[tilespmem:$0x3090] =	vst v10  }
0x3a: {  	v58 =	vadd.s32 $0x7E0, v18;
	v5 =	vld.idx.msk [tilespmem:v62+s2+$0x0], $0xffff;
	[tilespmem:$0x3110] =	vst v11  }
0x3b: {  	v59 =	vadd.s32 $0xBD0, v18;
	v3 =	vld.idx.msk [tilespmem:v51+s2+$0x0], $0xffff;
	[tilespmem:$0x3190] =	vst v12  }
0x3c: {  	v60 =	vadd.s32 $0xFC0, v18;
	v4 =	vld.idx.msk [tilespmem:v52+s2+$0x0], $0xffff;
	[tilespmem:$0x3210] =	vst v45  }
0x3d: {  	v20 =	vadd.s32 $0x1B90, v18;
	v6 =	vld.idx.msk [tilespmem:v53+s2+$0x0], $0xffff;
	[tilespmem:$0x3290] =	vst v47  }
0x3e: {  	v8 =	vld.idx.msk [tilespmem:v54+s2+$0x0], $0xffff;
	[tilespmem:$0x2FA0] =	vst v17  }
0x3f: {  	v9 =	vld.idx.msk [tilespmem:v58+s2+$0x0], $0xffff;
	[tilespmem:$0x3020] =	vst v14  }
0x40: {  	v10 =	vld.idx.msk [tilespmem:v59+s2+$0x0], $0xffff;
	[tilespmem:$0x30A0] =	vst v55  }
0x41: {  	v11 =	vld.idx.msk [tilespmem:v60+s2+$0x0], $0xffff;
	[tilespmem:$0x3120] =	vst v56  }
0x42: {  	v30 =	vadd.s32 $0x1B90, v63;
	v2 =	vld.idx.msk [tilespmem:v20+s2+$0x0], $0xffff;
	[tilespmem:$0x2FB0] =	vst v61  }
0x43: {  	v34 =	vadd.s32 $0xBD0, v28;
	[tilespmem:$0x32B0] =	vst v22  }
0x44: {  	v38 =	vld [tilespmem:$0x1FE0];
	v39 =	vadd.s32 $0x17A0, v28;
	[tilespmem:$0x3300] =	vst v0  }
0x45: {  	v21 =	vadd.s32 $0x3F0, v63;
	v26 =	vld.idx.msk [tilespmem:v63+s2+$0x0], $0xffff;
	[tilespmem:$0x3310] =	vst v49  }
0x46: {  	v23 =	vadd.s32 $0x7E0, v63;
	v36 =	vld.idx.msk [tilespmem:v28+s2+$0x0], $0xffff;
	[tilespmem:$0x3030] =	vst v7  }
0x47: {  	v40 =	vadd.s32 $0x1B90, v28;
	v33 =	vld.idx.msk [tilespmem:v30+s2+$0x0], $0xffff;
	[tilespmem:$0x3230] =	vst v5  }
0x48: {  	v24 =	vadd.s32 $0xBD0, v63;
	v41 =	vld.idx.msk [tilespmem:v34+s2+$0x0], $0xffff;
	[tilespmem:$0x31A0] =	vst v3  }
0x49: {  	v25 =	vadd.s32 $0xFC0, v63;
	v43 =	vld.idx.msk [tilespmem:v39+s2+$0x0], $0xffff;
	[tilespmem:$0x3220] =	vst v4  }
0x4a: {  	v27 =	vadd.s32 $0x13B0, v63;
	v14 =	vld.idx.msk [tilespmem:v21+s2+$0x0], $0xffff;
	[tilespmem:$0x32A0] =	vst v6  }
0x4b: {  	v29 =	vadd.s32 $0x17A0, v63;
	v1 =	vld.idx.msk [tilespmem:v23+s2+$0x0], $0xffff;
	[tilespmem:$0x3320] =	vst v8  }
0x4c: {  	v31 =	vadd.s32 $0x3F0, v28;
	v45 =	vld.idx.msk [tilespmem:v40+s2+$0x0], $0xffff;
	[tilespmem:$0x30B0] =	vst v9  }
0x4d: {  	v35 =	vadd.s32 $0xFC0, v28;
	v3 =	vld.idx.msk [tilespmem:v24+s2+$0x0], $0xffff;
	[tilespmem:$0x3130] =	vst v10  }
0x4e: {  	v32 =	vadd.s32 $0x7E0, v28;
	v4 =	vld.idx.msk [tilespmem:v25+s2+$0x0], $0xffff;
	[tilespmem:$0x31B0] =	vst v11  }
0x4f: {  	v37 =	vadd.s32 $0x13B0, v28;
	v6 =	vld.idx.msk [tilespmem:v27+s2+$0x0], $0xffff;
	[tilespmem:$0x3330] =	vst v2  }
0x50: {  	v8 =	vld.idx.msk [tilespmem:v29+s2+$0x0], $0xffff;
	[tilespmem:$0x2FC0] =	vst v26  }
0x51: {  	v7 =	vld.idx.msk [tilespmem:v31+s2+$0x0], $0xffff;
	[tilespmem:$0x3040] =	vst v14  }
0x52: {  	v0 =	vld.idx.msk [tilespmem:v35+s2+$0x0], $0xffff;
	[tilespmem:$0x30C0] =	vst v1  }
0x53: {  	v9 =	vld.idx.msk [tilespmem:v32+s2+$0x0], $0xffff;
	[tilespmem:$0x3340] =	vst v33  }
0x54: {  	v46 =	vadd.s32 $0xBD0, v38;
	v2 =	vld.idx.msk [tilespmem:v37+s2+$0x0], $0xffff;
	[tilespmem:$0x2FD0] =	vst v36  }
0x55: {  	[tilespmem:$0x3150] =	vst v41  }
0x56: {  	v47 =	vadd.s32 $0xFC0, v38;
	[tilespmem:$0x32D0] =	vst v43  }
0x57: {  	v48 =	vld [tilespmem:$0x1FF0];
	v51 =	vadd.s32 $0x17A0, v38;
	[tilespmem:$0x3350] =	vst v45  }
0x58: {  	v50 =	vld.idx.msk [tilespmem:v38+s2+$0x0], $0xffff;
	v52 =	vadd.s32 $0x1B90, v38;
	[tilespmem:$0x3050] =	vst v7  }
0x59: {  	v53 =	vld.idx.msk [tilespmem:v46+s2+$0x0], $0xffff;
	v49 =	vadd.s32 $0x13B0, v38;
	[tilespmem:$0x31D0] =	vst v0  }
0x5a: {  	v42 =	vadd.s32 $0x3F0, v38;
	v22 =	vld [tilespmem:$0x2000];
	[tilespmem:$0x3140] =	vst v3  }
0x5b: {  	v44 =	vadd.s32 $0x7E0, v38;
	v54 =	vld.idx.msk [tilespmem:v47+s2+$0x0], $0xffff;
	[tilespmem:$0x31C0] =	vst v4  }
0x5c: {  	v58 =	vld.idx.msk [tilespmem:v51+s2+$0x0], $0xffff;
	[tilespmem:$0x3240] =	vst v6  }
0x5d: {  	v55 =	vadd.s32 $0x3F0, v48;
	v60 =	vld.idx.msk [tilespmem:v52+s2+$0x0], $0xffff;
	[tilespmem:$0x32C0] =	vst v8  }
0x5e: {  	v57 =	vadd.s32 $0x7E0, v48;
	v56 =	vld.idx.msk [tilespmem:v49+s2+$0x0], $0xffff;
	[tilespmem:$0x30D0] =	vst v9  }
0x5f: {  	v59 =	vadd.s32 $0xBD0, v48;
	v3 =	vld.idx.msk [tilespmem:v42+s2+$0x0], $0xffff;
	[tilespmem:$0x3250] =	vst v2  }
0x60: {  	v61 =	vadd.s32 $0xFC0, v48;
	v6 =	vld.idx.msk [tilespmem:v44+s2+$0x0], $0xffff;
	[tilespmem:$0x2FE0] =	vst v50  }
0x61: {  	v62 =	vadd.s32 $0x13B0, v48;
	v63 =	vld.idx.msk [tilespmem:v48+s2+$0x0], $0xffff;
	[tilespmem:$0x3160] =	vst v53  }
0x62: {  	v17 =	vadd.s32 $0x1B90, v48;
	v5 =	vld.idx.msk [tilespmem:v55+s2+$0x0], $0xffff;
	[tilespmem:$0x31E0] =	vst v54  }
0x63: {  	v16 =	vadd.s32 $0x17A0, v48;
	v10 =	vld.idx.msk [tilespmem:v57+s2+$0x0], $0xffff;
	[tilespmem:$0x32E0] =	vst v58  }
0x64: {  	v18 =	vld.idx.msk [tilespmem:v59+s2+$0x0], $0xffff;
	[tilespmem:$0x3360] =	vst v60  }
0x65: {  	v19 =	vld.idx.msk [tilespmem:v61+s2+$0x0], $0xffff;
	[tilespmem:$0x3260] =	vst v56  }
0x66: {  	v20 =	vld.idx.msk [tilespmem:v62+s2+$0x0], $0xffff;
	[tilespmem:$0x3060] =	vst v3  }
0x67: {  	v21 =	vld.idx.msk [tilespmem:v17+s2+$0x0], $0xffff;
	[tilespmem:$0x30E0] =	vst v6  }
0x68: {  	v3 =	vld.idx.msk [tilespmem:v16+s2+$0x0], $0xffff;
	[tilespmem:$0x2FF0] =	vst v63  }
0x69: {  	[tilespmem:$0x3070] =	vst v5  }
0x6a: {  	[tilespmem:$0x30F0] =	vst v10  }
0x6b: {  	[tilespmem:$0x3170] =	vst v18  }
0x6c: {  	v28 =	vld [tilespmem:$0x2010];
	v23 =	vadd.s32 $0x3F0, v22;
	[tilespmem:$0x31F0] =	vst v19  }
0x6d: {  	v46 =	vld [tilespmem:$0x2030];
	v24 =	vadd.s32 $0x7E0, v22;
	[tilespmem:$0x3270] =	vst v20  }
0x6e: {  	v25 =	vadd.s32 $0xBD0, v22;
	v36 =	vld [tilespmem:$0x2020];
	[tilespmem:$0x3370] =	vst v21  }
0x6f: {  	v26 =	vadd.s32 $0xFC0, v22;
	v57 =	vld [tilespmem:$0x2040];
	[tilespmem:$0x32F0] =	vst v3  }
0x70: {  	v27 =	vadd.s32 $0x13B0, v22;
	v4 =	vld.idx.msk [tilespmem:v22+s2+$0x0], $0xffff  }
0x71: {  	v29 =	vadd.s32 $0x17A0, v22;
	v0 =	vld.idx.msk [tilespmem:v23+s2+$0x0], $0xffff  }
0x72: {  	v6 =	vadd.s32 $0x1B90, v22;
	v1 =	vld.idx.msk [tilespmem:v24+s2+$0x0], $0xffff  }
0x73: {  	v2 =	vld.idx.msk [tilespmem:v25+s2+$0x0], $0xffff  }
0x74: {  	v30 =	vadd.s32 $0x3F0, v28;
	v3 =	vld.idx.msk [tilespmem:v26+s2+$0x0], $0xffff  }
0x75: {  	v31 =	vadd.s32 $0x7E0, v28;
	v5 =	vld.idx.msk [tilespmem:v27+s2+$0x0], $0xffff  }
0x76: {  	v32 =	vadd.s32 $0xBD0, v28;
	v8 =	vld.idx.msk [tilespmem:v29+s2+$0x0], $0xffff  }
0x77: {  	v33 =	vadd.s32 $0xFC0, v28;
	v6 =	vld.idx.msk [tilespmem:v6+s2+$0x0], $0xffff  }
0x78: {  	v35 =	vadd.s32 $0x13B0, v28;
	v34 =	vld.idx.msk [tilespmem:v28+s2+$0x0], $0xffff  }
0x79: {  	v37 =	vadd.s32 $0x17A0, v28;
	v9 =	vld.idx.msk [tilespmem:v30+s2+$0x0], $0xffff  }
0x7a: {  	v7 =	vadd.s32 $0x1B90, v28;
	v10 =	vld.idx.msk [tilespmem:v31+s2+$0x0], $0xffff  }
0x7b: {  	v11 =	vld.idx.msk [tilespmem:v32+s2+$0x0], $0xffff  }
0x7c: {  	v39 =	vadd.s32 $0x3F0, v36;
	v12 =	vld.idx.msk [tilespmem:v33+s2+$0x0], $0xffff  }
0x7d: {  	v41 =	vadd.s32 $0x7E0, v36;
	v38 =	vld.idx.msk [tilespmem:v35+s2+$0x0], $0xffff;
	[tilespmem:$0x3380] =	vst v4  }
0x7e: {  	v43 =	vadd.s32 $0xBD0, v36;
	v40 =	vld.idx.msk [tilespmem:v37+s2+$0x0], $0xffff;
	[tilespmem:$0x3400] =	vst v0  }
0x7f: {  	v42 =	vld.idx.msk [tilespmem:v7+s2+$0x0], $0xffff;
	[tilespmem:$0x3480] =	vst v1  }
0x80: {  	v51 =	vadd.s32 $0x3F0, v46;
	v17 =	vld.idx.msk [tilespmem:v36+s2+$0x0], $0xffff;
	[tilespmem:$0x3500] =	vst v2  }
0x81: {  	v14 =	vld.idx.msk [tilespmem:v39+s2+$0x0], $0xffff;
	[tilespmem:$0x3580] =	vst v3  }
0x82: {  	v49 =	vld.idx.msk [tilespmem:v41+s2+$0x0], $0xffff;
	[tilespmem:$0x3600] =	vst v5  }
0x83: {  	v44 =	vadd.s32 $0xFC0, v36;
	v50 =	vld.idx.msk [tilespmem:v43+s2+$0x0], $0xffff;
	[tilespmem:$0x3680] =	vst v8  }
0x84: {  	v45 =	vadd.s32 $0x13B0, v36;
	v55 =	vld.idx.msk [tilespmem:v46+s2+$0x0], $0xffff;
	[tilespmem:$0x3700] =	vst v6  }
0x85: {  	v47 =	vadd.s32 $0x17A0, v36;
	v7 =	vld.idx.msk [tilespmem:v51+s2+$0x0], $0xffff;
	[tilespmem:$0x3390] =	vst v34  }
0x86: {  	v48 =	vadd.s32 $0x1B90, v36;
	v20 =	vld.idx.msk [tilespmem:v57+s2+$0x0], $0xffff;
	[tilespmem:$0x3410] =	vst v9  }
0x87: {  	v52 =	vadd.s32 $0x7E0, v46;
	v22 =	vld [tilespmem:$0x2050];
	[tilespmem:$0x3490] =	vst v10  }
0x88: {  	v53 =	vadd.s32 $0xBD0, v46;
	v2 =	vld.idx.msk [tilespmem:v44+s2+$0x0], $0xffff;
	[tilespmem:$0x3510] =	vst v11  }
0x89: {  	v54 =	vadd.s32 $0xFC0, v46;
	v3 =	vld.idx.msk [tilespmem:v45+s2+$0x0], $0xffff;
	[tilespmem:$0x3590] =	vst v12  }
0x8a: {  	v56 =	vadd.s32 $0x13B0, v46;
	v5 =	vld.idx.msk [tilespmem:v47+s2+$0x0], $0xffff;
	[tilespmem:$0x3610] =	vst v38  }
0x8b: {  	v58 =	vadd.s32 $0x17A0, v46;
	v8 =	vld.idx.msk [tilespmem:v48+s2+$0x0], $0xffff;
	[tilespmem:$0x3690] =	vst v40  }
0x8c: {  	v59 =	vadd.s32 $0x1B90, v46;
	[tilespmem:$0x3710] =	vst v42;
	v9 =	vld.idx.msk [tilespmem:v52+s2+$0x0], $0xffff  }
0x8d: {  	[tilespmem:$0x33A0] =	vst v17;
	v10 =	vld.idx.msk [tilespmem:v53+s2+$0x0], $0xffff  }
0x8e: {  	v60 =	vadd.s32 $0x3F0, v57;
	[tilespmem:$0x3420] =	vst v14;
	v11 =	vld.idx.msk [tilespmem:v54+s2+$0x0], $0xffff  }
0x8f: {  	v61 =	vadd.s32 $0x7E0, v57;
	[tilespmem:$0x34A0] =	vst v49;
	v4 =	vld.idx.msk [tilespmem:v56+s2+$0x0], $0xffff  }
0x90: {  	v24 =	vadd.s32 $0x1B90, v57;
	[tilespmem:$0x3520] =	vst v50;
	v0 =	vld.idx.msk [tilespmem:v58+s2+$0x0], $0xffff  }
0x91: {  	v1 =	vld.idx.msk [tilespmem:v59+s2+$0x0], $0xffff;
	[tilespmem:$0x33B0] =	vst v55  }
0x92: {  	v62 =	vadd.s32 $0xBD0, v57;
	v32 =	vld [tilespmem:$0x2060];
	[tilespmem:$0x3430] =	vst v7  }
0x93: {  	v63 =	vadd.s32 $0xFC0, v57;
	v14 =	vld.idx.msk [tilespmem:v60+s2+$0x0], $0xffff;
	[tilespmem:$0x35A0] =	vst v2  }
0x94: {  	v21 =	vadd.s32 $0x13B0, v57;
	v6 =	vld.idx.msk [tilespmem:v61+s2+$0x0], $0xffff;
	[tilespmem:$0x3620] =	vst v3  }
0x95: {  	v23 =	vadd.s32 $0x17A0, v57;
	v27 =	vld.idx.msk [tilespmem:v24+s2+$0x0], $0xffff;
	[tilespmem:$0x36A0] =	vst v5  }
0x96: {  	v25 =	vadd.s32 $0x3F0, v22;
	v30 =	vld.idx.msk [tilespmem:v22+s2+$0x0], $0xffff;
	[tilespmem:$0x3720] =	vst v8  }
0x97: {  	v26 =	vadd.s32 $0x7E0, v22;
	v2 =	vld.idx.msk [tilespmem:v62+s2+$0x0], $0xffff;
	[tilespmem:$0x34B0] =	vst v9  }
0x98: {  	v28 =	vadd.s32 $0xBD0, v22;
	v3 =	vld.idx.msk [tilespmem:v63+s2+$0x0], $0xffff;
	[tilespmem:$0x3530] =	vst v10  }
0x99: {  	v29 =	vadd.s32 $0xFC0, v22;
	v5 =	vld.idx.msk [tilespmem:v21+s2+$0x0], $0xffff;
	[tilespmem:$0x35B0] =	vst v11  }
0x9a: {  	v31 =	vadd.s32 $0x13B0, v22;
	v8 =	vld.idx.msk [tilespmem:v23+s2+$0x0], $0xffff;
	[tilespmem:$0x3630] =	vst v4  }
0x9b: {  	v33 =	vadd.s32 $0x17A0, v22;
	[tilespmem:$0x36B0] =	vst v0;
	v7 =	vld.idx.msk [tilespmem:v25+s2+$0x0], $0xffff  }
0x9c: {  	v34 =	vadd.s32 $0x1B90, v22;
	[tilespmem:$0x3730] =	vst v1;
	v9 =	vld.idx.msk [tilespmem:v26+s2+$0x0], $0xffff  }
0x9d: {  	[tilespmem:$0x33C0] =	vst v20;
	v35 =	vld.idx.msk [tilespmem:v28+s2+$0x0], $0xffff  }
0x9e: {  	[tilespmem:$0x3440] =	vst v14;
	v0 =	vld.idx.msk [tilespmem:v29+s2+$0x0], $0xffff  }
0x9f: {  	[tilespmem:$0x34C0] =	vst v6;
	v1 =	vld.idx.msk [tilespmem:v31+s2+$0x0], $0xffff  }
0xa0: {  	v37 =	vld.idx.msk [tilespmem:v33+s2+$0x0], $0xffff;
	[tilespmem:$0x3740] =	vst v27  }
0xa1: {  	v39 =	vld.idx.msk [tilespmem:v34+s2+$0x0], $0xffff;
	[tilespmem:$0x33D0] =	vst v30  }
0xa2: {  	v40 =	vadd.s32 $0xBD0, v32;
	[tilespmem:$0x3540] =	vst v2  }
0xa3: {  	v41 =	vadd.s32 $0xFC0, v32;
	[tilespmem:$0x35C0] =	vst v3  }
0xa4: {  	v43 =	vadd.s32 $0x13B0, v32;
	[tilespmem:$0x3640] =	vst v5  }
0xa5: {  	v42 =	vld [tilespmem:$0x2070];
	v45 =	vadd.s32 $0x17A0, v32;
	[tilespmem:$0x36C0] =	vst v8  }
0xa6: {  	v46 =	vadd.s32 $0x1B90, v32;
	v44 =	vld.idx.msk [tilespmem:v32+s2+$0x0], $0xffff;
	[tilespmem:$0x3450] =	vst v7  }
0xa7: {  	v36 =	vadd.s32 $0x3F0, v32;
	v47 =	vld.idx.msk [tilespmem:v40+s2+$0x0], $0xffff;
	[tilespmem:$0x34D0] =	vst v9  }
0xa8: {  	v38 =	vadd.s32 $0x7E0, v32;
	v48 =	vld.idx.msk [tilespmem:v41+s2+$0x0], $0xffff;
	[tilespmem:$0x3550] =	vst v35  }
0xa9: {  	v50 =	vld.idx.msk [tilespmem:v43+s2+$0x0], $0xffff;
	[tilespmem:$0x35D0] =	vst v0  }
0xaa: {  	v49 =	vadd.s32 $0x3F0, v42;
	v52 =	vld.idx.msk [tilespmem:v45+s2+$0x0], $0xffff;
	[tilespmem:$0x3650] =	vst v1  }
0xab: {  	v51 =	vadd.s32 $0x7E0, v42;
	v54 =	vld.idx.msk [tilespmem:v46+s2+$0x0], $0xffff;
	[tilespmem:$0x36D0] =	vst v37  }
0xac: {  	v53 =	vadd.s32 $0xBD0, v42;
	v2 =	vld.idx.msk [tilespmem:v36+s2+$0x0], $0xffff;
	[tilespmem:$0x3750] =	vst v39  }
0xad: {  	v55 =	vadd.s32 $0xFC0, v42;
	v5 =	vld.idx.msk [tilespmem:v38+s2+$0x0], $0xffff;
	[tilespmem:$0x33E0] =	vst v44  }
0xae: {  	v56 =	vadd.s32 $0x13B0, v42;
	v57 =	vld.idx.msk [tilespmem:v42+s2+$0x0], $0xffff;
	[tilespmem:$0x3560] =	vst v47  }
0xaf: {  	v59 =	vadd.s32 $0x1B90, v42;
	v4 =	vld.idx.msk [tilespmem:v49+s2+$0x0], $0xffff;
	[tilespmem:$0x35E0] =	vst v48  }
0xb0: {  	v58 =	vadd.s32 $0x17A0, v42;
	v10 =	vld.idx.msk [tilespmem:v51+s2+$0x0], $0xffff;
	[tilespmem:$0x3660] =	vst v50  }
0xb1: {  	v60 =	vld.idx.msk [tilespmem:v53+s2+$0x0], $0xffff;
	[tilespmem:$0x36E0] =	vst v52  }
0xb2: {  	v61 =	vld.idx.msk [tilespmem:v55+s2+$0x0], $0xffff;
	[tilespmem:$0x3760] =	vst v54  }
0xb3: {  	v62 =	vld.idx.msk [tilespmem:v56+s2+$0x0], $0xffff;
	[tilespmem:$0x3460] =	vst v2  }
0xb4: {  	v63 =	vld.idx.msk [tilespmem:v59+s2+$0x0], $0xffff;
	[tilespmem:$0x34E0] =	vst v5  }
0xb5: {  	v2 =	vld.idx.msk [tilespmem:v58+s2+$0x0], $0xffff;
	[tilespmem:$0x33F0] =	vst v57  }
0xb6: {  	[tilespmem:$0x3470] =	vst v4  }
0xb7: {  	[tilespmem:$0x34F0] =	vst v10  }
.Ltmp2:
0xb8: {  	[tilespmem:$0x3570] =	vst v60;
	(pc) =	sbr.rel .LBB2_2-.Ltmp2, $4  }
0xb9: {  	[tilespmem:$0x35F0] =	vst v61  }
0xba: {  	[tilespmem:$0x3670] =	vst v62  }
0xbb: {  	[tilespmem:$0x3770] =	vst v63  }
0xbc: {  	s17 =	simm.s32 $0x2100;
	s18 =	simm.s32 $0x0;
	[tilespmem:$0x36F0] =	vst v2  }
.LBB2_4:
0xbd: {  	s18 =	sadd.s32 $0x200, s18  }
0xbe: {  	_ =	swait.ge [sflag:s14], $0x400;
	p0 =	sne.s32 s18, $0x1000  }
.Ltmp3:
0xbf: {  	[sflag:s14] =	ssyncset.done $0x0;
	(pc) =	sbr.rel @!p0 .LBB2_5-.Ltmp3, $4  }
0xc0: {  	[sflag:s14] =	ssyncadd.s32 $0xFFFFFC00  }
0xc1: {  	_ =	swait.ge [sflag:s15], $0x400  }
0xc2: {  	[sflag:s15] =	ssyncset.done $0x0  }
0xc3: {  	s17 =	sadd.s32 $0x200, s17;
	[sflag:s15] =	ssyncadd.s32 $0xFFFFFC00  }
.LBB2_2:
0xc4: {  	s19 =	sadd.s32 s18, s6  }
0xc5: {  	[hbm4b:s19+s2] =	stream.linear.scatter [tilespmem:s10], [sflag:$0x1], $0x400, $0x38;
	[tilespmem:$0x3F80] =	vst v63  }
0xc6: {  	s20 =	sadd.s32 $0x80, s19  }
0xc7: {  	[hbm4b:s20+s2] =	stream.linear.scatter [tilespmem:s11], [sflag:$0x2], $0x400, $0x38;
	[tilespmem:$0x3F80] =	vst v63  }
0xc8: {  	v0 =	vld [tilespmem:s17+$0xFFFFFF80]  }
0xc9: {  	v7 =	vld [tilespmem:s17+$0xFFFFFF90];
	_ =	sdelay $0x3  }
0xca: {  	v15 =	vld [tilespmem:s17+$0xFFFFFFA0];
	v1 =	vadd.s32 $0x3F0, v0  }
0xcb: {  	v18 =	vld [tilespmem:s17+$0xFFFFFFB0];
	v2 =	vadd.s32 $0x7E0, v0  }
0xcc: {  	v63 =	vld [tilespmem:s17+$0xFFFFFFC0];
	v3 =	vadd.s32 $0xBD0, v0  }
0xcd: {  	v4 =	vadd.s32 $0xFC0, v0;
	v5 =	vld.idx.msk [tilespmem:v0+s2+$0x0], $0xffff  }
0xce: {  	v6 =	vadd.s32 $0x13B0, v0;
	v13 =	vld.idx.msk [tilespmem:v7+s2+$0x0], $0xffff  }
0xcf: {  	v8 =	vadd.s32 $0x17A0, v0;
	v1 =	vld.idx.msk [tilespmem:v1+s2+$0x0], $0xffff  }
0xd0: {  	v9 =	vadd.s32 $0x3F0, v7;
	v2 =	vld.idx.msk [tilespmem:v2+s2+$0x0], $0xffff  }
0xd1: {  	v10 =	vadd.s32 $0x7E0, v7;
	v3 =	vld.idx.msk [tilespmem:v3+s2+$0x0], $0xffff  }
0xd2: {  	v11 =	vadd.s32 $0xBD0, v7;
	v4 =	vld.idx.msk [tilespmem:v4+s2+$0x0], $0xffff  }
0xd3: {  	v12 =	vadd.s32 $0xFC0, v7;
	v6 =	vld.idx.msk [tilespmem:v6+s2+$0x0], $0xffff  }
0xd4: {  	v14 =	vadd.s32 $0x13B0, v7;
	v8 =	vld.idx.msk [tilespmem:v8+s2+$0x0], $0xffff  }
0xd5: {  	v16 =	vadd.s32 $0x17A0, v7;
	v9 =	vld.idx.msk [tilespmem:v9+s2+$0x0], $0xffff  }
0xd6: {  	v0 =	vadd.s32 $0x1B90, v0;
	v10 =	vld.idx.msk [tilespmem:v10+s2+$0x0], $0xffff  }
0xd7: {  	v7 =	vadd.s32 $0x1B90, v7;
	v11 =	vld.idx.msk [tilespmem:v11+s2+$0x0], $0xffff  }
0xd8: {  	v12 =	vld.idx.msk [tilespmem:v12+s2+$0x0], $0xffff  }
0xd9: {  	v45 =	vld.idx.msk [tilespmem:v14+s2+$0x0], $0xffff  }
0xda: {  	v47 =	vld.idx.msk [tilespmem:v16+s2+$0x0], $0xffff  }
0xdb: {  	v46 =	vadd.s32 $0x3F0, v15;
	v0 =	vld.idx.msk [tilespmem:v0+s2+$0x0], $0xffff;
	[tilespmem:$0x3780] =	vst v5  }
0xdc: {  	v48 =	vadd.s32 $0x7E0, v15;
	v49 =	vld.idx.msk [tilespmem:v7+s2+$0x0], $0xffff;
	[tilespmem:$0x3790] =	vst v13  }
0xdd: {  	v29 =	vld [tilespmem:s17+$0xFFFFFFD0];
	v50 =	vadd.s32 $0xBD0, v15;
	[tilespmem:$0x3800] =	vst v1  }
0xde: {  	v20 =	vadd.s32 $0x17A0, v18;
	v17 =	vld.idx.msk [tilespmem:v15+s2+$0x0], $0xffff;
	[tilespmem:$0x3880] =	vst v2  }
0xdf: {  	v57 =	vadd.s32 $0x3F0, v18;
	v61 =	vld.idx.msk [tilespmem:v18+s2+$0x0], $0xffff;
	[tilespmem:$0x3900] =	vst v3  }
0xe0: {  	v62 =	vadd.s32 $0x13B0, v18;
	v14 =	vld.idx.msk [tilespmem:v46+s2+$0x0], $0xffff;
	[tilespmem:$0x3980] =	vst v4  }
0xe1: {  	v51 =	vadd.s32 $0xFC0, v15;
	v55 =	vld.idx.msk [tilespmem:v48+s2+$0x0], $0xffff;
	[tilespmem:$0x3A00] =	vst v6  }
0xe2: {  	v52 =	vadd.s32 $0x13B0, v15;
	v56 =	vld.idx.msk [tilespmem:v50+s2+$0x0], $0xffff;
	[tilespmem:$0x3A80] =	vst v8  }
0xe3: {  	v53 =	vadd.s32 $0x17A0, v15;
	v23 =	vld.idx.msk [tilespmem:v20+s2+$0x0], $0xffff;
	[tilespmem:$0x3810] =	vst v9  }
0xe4: {  	v54 =	vadd.s32 $0x1B90, v15;
	v7 =	vld.idx.msk [tilespmem:v57+s2+$0x0], $0xffff;
	[tilespmem:$0x3890] =	vst v10  }
0xe5: {  	v58 =	vadd.s32 $0x7E0, v18;
	v5 =	vld.idx.msk [tilespmem:v62+s2+$0x0], $0xffff;
	[tilespmem:$0x3910] =	vst v11  }
0xe6: {  	v59 =	vadd.s32 $0xBD0, v18;
	v3 =	vld.idx.msk [tilespmem:v51+s2+$0x0], $0xffff;
	[tilespmem:$0x3990] =	vst v12  }
0xe7: {  	v60 =	vadd.s32 $0xFC0, v18;
	v4 =	vld.idx.msk [tilespmem:v52+s2+$0x0], $0xffff;
	[tilespmem:$0x3A10] =	vst v45  }
0xe8: {  	v21 =	vadd.s32 $0x1B90, v18;
	v6 =	vld.idx.msk [tilespmem:v53+s2+$0x0], $0xffff;
	[tilespmem:$0x3A90] =	vst v47  }
0xe9: {  	v8 =	vld.idx.msk [tilespmem:v54+s2+$0x0], $0xffff;
	[tilespmem:$0x37A0] =	vst v17  }
0xea: {  	v9 =	vld.idx.msk [tilespmem:v58+s2+$0x0], $0xffff;
	[tilespmem:$0x3820] =	vst v14  }
0xeb: {  	v10 =	vld.idx.msk [tilespmem:v59+s2+$0x0], $0xffff;
	[tilespmem:$0x38A0] =	vst v55  }
0xec: {  	v11 =	vld.idx.msk [tilespmem:v60+s2+$0x0], $0xffff;
	[tilespmem:$0x3920] =	vst v56  }
0xed: {  	v31 =	vadd.s32 $0x1B90, v63;
	v2 =	vld.idx.msk [tilespmem:v21+s2+$0x0], $0xffff;
	[tilespmem:$0x37B0] =	vst v61  }
0xee: {  	v35 =	vadd.s32 $0xBD0, v29;
	[tilespmem:$0x3AB0] =	vst v23  }
0xef: {  	v39 =	vld [tilespmem:s17+$0xFFFFFFE0];
	v40 =	vadd.s32 $0x17A0, v29;
	[tilespmem:$0x3B00] =	vst v0  }
0xf0: {  	v41 =	vadd.s32 $0x1B90, v29;
	v27 =	vld.idx.msk [tilespmem:v63+s2+$0x0], $0xffff;
	[tilespmem:$0x3B10] =	vst v49  }
0xf1: {  	v22 =	vadd.s32 $0x3F0, v63;
	v37 =	vld.idx.msk [tilespmem:v29+s2+$0x0], $0xffff;
	[tilespmem:$0x3830] =	vst v7  }
0xf2: {  	v24 =	vadd.s32 $0x7E0, v63;
	v34 =	vld.idx.msk [tilespmem:v31+s2+$0x0], $0xffff;
	[tilespmem:$0x3A30] =	vst v5  }
0xf3: {  	v25 =	vadd.s32 $0xBD0, v63;
	v42 =	vld.idx.msk [tilespmem:v35+s2+$0x0], $0xffff;
	[tilespmem:$0x39A0] =	vst v3  }
0xf4: {  	v26 =	vadd.s32 $0xFC0, v63;
	v44 =	vld.idx.msk [tilespmem:v40+s2+$0x0], $0xffff;
	[tilespmem:$0x3A20] =	vst v4  }
0xf5: {  	v28 =	vadd.s32 $0x13B0, v63;
	v46 =	vld.idx.msk [tilespmem:v41+s2+$0x0], $0xffff;
	[tilespmem:$0x3AA0] =	vst v6  }
0xf6: {  	v30 =	vadd.s32 $0x17A0, v63;
	v14 =	vld.idx.msk [tilespmem:v22+s2+$0x0], $0xffff;
	[tilespmem:$0x3B20] =	vst v8  }
0xf7: {  	v32 =	vadd.s32 $0x3F0, v29;
	v1 =	vld.idx.msk [tilespmem:v24+s2+$0x0], $0xffff;
	[tilespmem:$0x38B0] =	vst v9  }
0xf8: {  	v36 =	vadd.s32 $0xFC0, v29;
	v3 =	vld.idx.msk [tilespmem:v25+s2+$0x0], $0xffff;
	[tilespmem:$0x3930] =	vst v10  }
0xf9: {  	v33 =	vadd.s32 $0x7E0, v29;
	v4 =	vld.idx.msk [tilespmem:v26+s2+$0x0], $0xffff;
	[tilespmem:$0x39B0] =	vst v11  }
0xfa: {  	v38 =	vadd.s32 $0x13B0, v29;
	v6 =	vld.idx.msk [tilespmem:v28+s2+$0x0], $0xffff;
	[tilespmem:$0x3B30] =	vst v2  }
0xfb: {  	v8 =	vld.idx.msk [tilespmem:v30+s2+$0x0], $0xffff;
	[tilespmem:$0x37C0] =	vst v27  }
0xfc: {  	v7 =	vld.idx.msk [tilespmem:v32+s2+$0x0], $0xffff;
	[tilespmem:$0x3840] =	vst v14  }
0xfd: {  	v0 =	vld.idx.msk [tilespmem:v36+s2+$0x0], $0xffff;
	[tilespmem:$0x38C0] =	vst v1  }
0xfe: {  	v9 =	vld.idx.msk [tilespmem:v33+s2+$0x0], $0xffff;
	[tilespmem:$0x3B40] =	vst v34  }
0xff: {  	v2 =	vld.idx.msk [tilespmem:v38+s2+$0x0], $0xffff;
	[tilespmem:$0x37D0] =	vst v37  }
0x100: {  	v48 =	vadd.s32 $0xFC0, v39;
	[tilespmem:$0x3950] =	vst v42  }
0x101: {  	v50 =	vadd.s32 $0x13B0, v39;
	[tilespmem:$0x3AD0] =	vst v44  }
0x102: {  	v47 =	vadd.s32 $0xBD0, v39;
	[tilespmem:$0x3B50] =	vst v46  }
0x103: {  	v52 =	vadd.s32 $0x17A0, v39;
	v49 =	vld [tilespmem:s17+$0xFFFFFFF0];
	[tilespmem:$0x3850] =	vst v7  }
0x104: {  	v51 =	vld.idx.msk [tilespmem:v39+s2+$0x0], $0xffff;
	v53 =	vadd.s32 $0x1B90, v39;
	[tilespmem:$0x39D0] =	vst v0  }
0x105: {  	v43 =	vadd.s32 $0x3F0, v39;
	v55 =	vld.idx.msk [tilespmem:v48+s2+$0x0], $0xffff;
	[tilespmem:$0x3940] =	vst v3  }
0x106: {  	v45 =	vadd.s32 $0x7E0, v39;
	v57 =	vld.idx.msk [tilespmem:v50+s2+$0x0], $0xffff;
	[tilespmem:$0x39C0] =	vst v4  }
0x107: {  	v54 =	vld.idx.msk [tilespmem:v47+s2+$0x0], $0xffff;
	[tilespmem:$0x3A40] =	vst v6  }
0x108: {  	v59 =	vld.idx.msk [tilespmem:v52+s2+$0x0], $0xffff;
	v56 =	vadd.s32 $0x3F0, v49;
	[tilespmem:$0x3AC0] =	vst v8  }
0x109: {  	v61 =	vld.idx.msk [tilespmem:v53+s2+$0x0], $0xffff;
	v58 =	vadd.s32 $0x7E0, v49;
	[tilespmem:$0x38D0] =	vst v9  }
0x10a: {  	v60 =	vadd.s32 $0xBD0, v49;
	v3 =	vld.idx.msk [tilespmem:v43+s2+$0x0], $0xffff;
	[tilespmem:$0x3A50] =	vst v2  }
0x10b: {  	v62 =	vadd.s32 $0xFC0, v49;
	v6 =	vld.idx.msk [tilespmem:v45+s2+$0x0], $0xffff;
	[tilespmem:$0x37E0] =	vst v51  }
0x10c: {  	v63 =	vadd.s32 $0x13B0, v49;
	[tilespmem:$0x3960] =	vst v54;
	v16 =	vld.idx.msk [tilespmem:v49+s2+$0x0], $0xffff  }
0x10d: {  	v18 =	vadd.s32 $0x1B90, v49;
	[tilespmem:$0x39E0] =	vst v55;
	v5 =	vld.idx.msk [tilespmem:v56+s2+$0x0], $0xffff  }
0x10e: {  	v17 =	vadd.s32 $0x17A0, v49;
	[tilespmem:$0x3A60] =	vst v57;
	v10 =	vld.idx.msk [tilespmem:v58+s2+$0x0], $0xffff  }
0x10f: {  	[tilespmem:$0x3AE0] =	vst v59;
	v19 =	vld.idx.msk [tilespmem:v60+s2+$0x0], $0xffff  }
0x110: {  	[tilespmem:$0x3B60] =	vst v61;
	v20 =	vld.idx.msk [tilespmem:v62+s2+$0x0], $0xffff  }
0x111: {  	v21 =	vld.idx.msk [tilespmem:v63+s2+$0x0], $0xffff;
	[tilespmem:$0x3860] =	vst v3  }
0x112: {  	v22 =	vld.idx.msk [tilespmem:v18+s2+$0x0], $0xffff;
	[tilespmem:$0x38E0] =	vst v6  }
0x113: {  	v3 =	vld.idx.msk [tilespmem:v17+s2+$0x0], $0xffff;
	[tilespmem:$0x37F0] =	vst v16  }
0x114: {  	[tilespmem:$0x3870] =	vst v5  }
0x115: {  	[tilespmem:$0x38F0] =	vst v10  }
0x116: {  	[tilespmem:$0x3970] =	vst v19  }
0x117: {  	[tilespmem:$0x39F0] =	vst v20  }
0x118: {  	[tilespmem:$0x3A70] =	vst v21  }
0x119: {  	[tilespmem:$0x3B70] =	vst v22  }
0x11a: {  	[tilespmem:$0x3AF0] =	vst v3  }
0x11b: {  	v0 =	vld [tilespmem:s17+$0x0]  }
0x11c: {  	v28 =	vld [tilespmem:s17+$0x10];
	_ =	sdelay $0x3  }
0x11d: {  	v23 =	vadd.s32 $0x3F0, v0  }
0x11e: {  	v15 =	vld [tilespmem:s17+$0x20];
	v24 =	vadd.s32 $0x7E0, v0  }
0x11f: {  	v45 =	vld [tilespmem:s17+$0x30];
	v25 =	vadd.s32 $0xBD0, v0  }
0x120: {  	v26 =	vadd.s32 $0xFC0, v0;
	v5 =	vld.idx.msk [tilespmem:v0+s2+$0x0], $0xffff  }
0x121: {  	v27 =	vadd.s32 $0x13B0, v0;
	v34 =	vld.idx.msk [tilespmem:v28+s2+$0x0], $0xffff  }
0x122: {  	v29 =	vadd.s32 $0x17A0, v0;
	v1 =	vld.idx.msk [tilespmem:v23+s2+$0x0], $0xffff  }
0x123: {  	v30 =	vadd.s32 $0x3F0, v28;
	v2 =	vld.idx.msk [tilespmem:v24+s2+$0x0], $0xffff  }
0x124: {  	v31 =	vadd.s32 $0x7E0, v28;
	v3 =	vld.idx.msk [tilespmem:v25+s2+$0x0], $0xffff  }
0x125: {  	v32 =	vadd.s32 $0xBD0, v28;
	v4 =	vld.idx.msk [tilespmem:v26+s2+$0x0], $0xffff  }
0x126: {  	v33 =	vadd.s32 $0xFC0, v28;
	v6 =	vld.idx.msk [tilespmem:v27+s2+$0x0], $0xffff  }
0x127: {  	v35 =	vadd.s32 $0x13B0, v28;
	v8 =	vld.idx.msk [tilespmem:v29+s2+$0x0], $0xffff  }
0x128: {  	v36 =	vadd.s32 $0x17A0, v28;
	v9 =	vld.idx.msk [tilespmem:v30+s2+$0x0], $0xffff  }
0x129: {  	v0 =	vadd.s32 $0x1B90, v0;
	v10 =	vld.idx.msk [tilespmem:v31+s2+$0x0], $0xffff  }
0x12a: {  	v7 =	vadd.s32 $0x1B90, v28;
	v11 =	vld.idx.msk [tilespmem:v32+s2+$0x0], $0xffff  }
0x12b: {  	v12 =	vld.idx.msk [tilespmem:v33+s2+$0x0], $0xffff  }
0x12c: {  	v37 =	vld.idx.msk [tilespmem:v35+s2+$0x0], $0xffff  }
0x12d: {  	v39 =	vld.idx.msk [tilespmem:v36+s2+$0x0], $0xffff  }
0x12e: {  	v0 =	vld.idx.msk [tilespmem:v0+s2+$0x0], $0xffff;
	[tilespmem:$0x3B80] =	vst v5  }
0x12f: {  	v38 =	vadd.s32 $0x3F0, v15;
	v41 =	vld.idx.msk [tilespmem:v7+s2+$0x0], $0xffff;
	[tilespmem:$0x3B90] =	vst v34  }
0x130: {  	v56 =	vld [tilespmem:s17+$0x40];
	v40 =	vadd.s32 $0x7E0, v15;
	[tilespmem:$0x3C00] =	vst v1  }
0x131: {  	v22 =	vld [tilespmem:s17+$0x50];
	v42 =	vadd.s32 $0xBD0, v15;
	[tilespmem:$0x3C80] =	vst v2  }
0x132: {  	v50 =	vadd.s32 $0x3F0, v45;
	v17 =	vld.idx.msk [tilespmem:v15+s2+$0x0], $0xffff;
	[tilespmem:$0x3D00] =	vst v3  }
0x133: {  	v57 =	vadd.s32 $0x17A0, v45;
	v54 =	vld.idx.msk [tilespmem:v45+s2+$0x0], $0xffff;
	[tilespmem:$0x3D80] =	vst v4  }
0x134: {  	v55 =	vadd.s32 $0x13B0, v45;
	v14 =	vld.idx.msk [tilespmem:v38+s2+$0x0], $0xffff;
	[tilespmem:$0x3E00] =	vst v6  }
0x135: {  	v43 =	vadd.s32 $0xFC0, v15;
	v48 =	vld.idx.msk [tilespmem:v40+s2+$0x0], $0xffff;
	[tilespmem:$0x3E80] =	vst v8  }
0x136: {  	v44 =	vadd.s32 $0x13B0, v15;
	v49 =	vld.idx.msk [tilespmem:v42+s2+$0x0], $0xffff;
	[tilespmem:$0x3C10] =	vst v9  }
0x137: {  	v46 =	vadd.s32 $0x17A0, v15;
	v7 =	vld.idx.msk [tilespmem:v50+s2+$0x0], $0xffff;
	[tilespmem:$0x3C90] =	vst v10  }
0x138: {  	v47 =	vadd.s32 $0x1B90, v15;
	v60 =	vld.idx.msk [tilespmem:v57+s2+$0x0], $0xffff;
	[tilespmem:$0x3D10] =	vst v11  }
0x139: {  	v51 =	vadd.s32 $0x7E0, v45;
	v5 =	vld.idx.msk [tilespmem:v55+s2+$0x0], $0xffff;
	[tilespmem:$0x3D90] =	vst v12  }
0x13a: {  	v52 =	vadd.s32 $0xBD0, v45;
	v3 =	vld.idx.msk [tilespmem:v43+s2+$0x0], $0xffff;
	[tilespmem:$0x3E10] =	vst v37  }
0x13b: {  	v53 =	vadd.s32 $0xFC0, v45;
	v4 =	vld.idx.msk [tilespmem:v44+s2+$0x0], $0xffff;
	[tilespmem:$0x3E90] =	vst v39  }
0x13c: {  	v58 =	vadd.s32 $0x1B90, v45;
	v6 =	vld.idx.msk [tilespmem:v46+s2+$0x0], $0xffff;
	[tilespmem:$0x3F10] =	vst v41  }
0x13d: {  	v8 =	vld.idx.msk [tilespmem:v47+s2+$0x0], $0xffff;
	[tilespmem:$0x3BA0] =	vst v17  }
0x13e: {  	v9 =	vld.idx.msk [tilespmem:v51+s2+$0x0], $0xffff;
	[tilespmem:$0x3C20] =	vst v14  }
0x13f: {  	v10 =	vld.idx.msk [tilespmem:v52+s2+$0x0], $0xffff;
	[tilespmem:$0x3CA0] =	vst v48  }
0x140: {  	v28 =	vadd.s32 $0xBD0, v22;
	v11 =	vld.idx.msk [tilespmem:v53+s2+$0x0], $0xffff;
	[tilespmem:$0x3D20] =	vst v49  }
0x141: {  	v59 =	vadd.s32 $0x3F0, v56;
	v2 =	vld.idx.msk [tilespmem:v58+s2+$0x0], $0xffff;
	[tilespmem:$0x3BB0] =	vst v54  }
0x142: {  	v61 =	vadd.s32 $0x7E0, v56;
	v20 =	vld.idx.msk [tilespmem:v56+s2+$0x0], $0xffff;
	[tilespmem:$0x3C30] =	vst v7  }
0x143: {  	v24 =	vadd.s32 $0x1B90, v56;
	v30 =	vld.idx.msk [tilespmem:v22+s2+$0x0], $0xffff;
	[tilespmem:$0x3EB0] =	vst v60  }
0x144: {  	v25 =	vadd.s32 $0x3F0, v22;
	v32 =	vld [tilespmem:s17+$0x60];
	[tilespmem:$0x3F00] =	vst v0  }
0x145: {  	v33 =	vadd.s32 $0x17A0, v22;
	v35 =	vld.idx.msk [tilespmem:v28+s2+$0x0], $0xffff;
	[tilespmem:$0x3E30] =	vst v5  }
0x146: {  	v62 =	vadd.s32 $0xBD0, v56;
	v14 =	vld.idx.msk [tilespmem:v59+s2+$0x0], $0xffff;
	[tilespmem:$0x3DA0] =	vst v3  }
0x147: {  	v63 =	vadd.s32 $0xFC0, v56;
	v1 =	vld.idx.msk [tilespmem:v61+s2+$0x0], $0xffff;
	[tilespmem:$0x3E20] =	vst v4  }
0x148: {  	v21 =	vadd.s32 $0x13B0, v56;
	v27 =	vld.idx.msk [tilespmem:v24+s2+$0x0], $0xffff;
	[tilespmem:$0x3EA0] =	vst v6  }
0x149: {  	v23 =	vadd.s32 $0x17A0, v56;
	v7 =	vld.idx.msk [tilespmem:v25+s2+$0x0], $0xffff;
	[tilespmem:$0x3F20] =	vst v8  }
0x14a: {  	v29 =	vadd.s32 $0xFC0, v22;
	v37 =	vld.idx.msk [tilespmem:v33+s2+$0x0], $0xffff;
	[tilespmem:$0x3CB0] =	vst v9  }
0x14b: {  	v34 =	vadd.s32 $0x1B90, v22;
	v3 =	vld.idx.msk [tilespmem:v62+s2+$0x0], $0xffff;
	[tilespmem:$0x3D30] =	vst v10  }
0x14c: {  	v26 =	vadd.s32 $0x7E0, v22;
	v4 =	vld.idx.msk [tilespmem:v63+s2+$0x0], $0xffff;
	[tilespmem:$0x3DB0] =	vst v11  }
0x14d: {  	v31 =	vadd.s32 $0x13B0, v22;
	v6 =	vld.idx.msk [tilespmem:v21+s2+$0x0], $0xffff;
	[tilespmem:$0x3F30] =	vst v2  }
0x14e: {  	v8 =	vld.idx.msk [tilespmem:v23+s2+$0x0], $0xffff;
	[tilespmem:$0x3BC0] =	vst v20  }
0x14f: {  	v0 =	vld.idx.msk [tilespmem:v29+s2+$0x0], $0xffff;
	[tilespmem:$0x3C40] =	vst v14  }
0x150: {  	v39 =	vld.idx.msk [tilespmem:v34+s2+$0x0], $0xffff;
	[tilespmem:$0x3CC0] =	vst v1  }
0x151: {  	v9 =	vld.idx.msk [tilespmem:v26+s2+$0x0], $0xffff;
	[tilespmem:$0x3F40] =	vst v27  }
0x152: {  	v2 =	vld.idx.msk [tilespmem:v31+s2+$0x0], $0xffff;
	[tilespmem:$0x3BD0] =	vst v30  }
0x153: {  	v40 =	vadd.s32 $0xBD0, v32;
	[tilespmem:$0x3C50] =	vst v7  }
0x154: {  	v41 =	vadd.s32 $0xFC0, v32;
	[tilespmem:$0x3D50] =	vst v35  }
0x155: {  	v43 =	vadd.s32 $0x13B0, v32;
	[tilespmem:$0x3ED0] =	vst v37  }
0x156: {  	v42 =	vld [tilespmem:s17+$0x70];
	v45 =	vadd.s32 $0x17A0, v32;
	[tilespmem:$0x3DD0] =	vst v0  }
0x157: {  	v46 =	vadd.s32 $0x1B90, v32;
	v44 =	vld.idx.msk [tilespmem:v32+s2+$0x0], $0xffff;
	[tilespmem:$0x3F50] =	vst v39  }
0x158: {  	v36 =	vadd.s32 $0x3F0, v32;
	v47 =	vld.idx.msk [tilespmem:v40+s2+$0x0], $0xffff;
	[tilespmem:$0x3D40] =	vst v3  }
0x159: {  	v38 =	vadd.s32 $0x7E0, v32;
	v48 =	vld.idx.msk [tilespmem:v41+s2+$0x0], $0xffff;
	[tilespmem:$0x3DC0] =	vst v4  }
0x15a: {  	v50 =	vld.idx.msk [tilespmem:v43+s2+$0x0], $0xffff;
	[tilespmem:$0x3E40] =	vst v6  }
0x15b: {  	v49 =	vadd.s32 $0x3F0, v42;
	v52 =	vld.idx.msk [tilespmem:v45+s2+$0x0], $0xffff;
	[tilespmem:$0x3EC0] =	vst v8  }
0x15c: {  	v51 =	vadd.s32 $0x7E0, v42;
	v54 =	vld.idx.msk [tilespmem:v46+s2+$0x0], $0xffff;
	[tilespmem:$0x3CD0] =	vst v9  }
0x15d: {  	v53 =	vadd.s32 $0xBD0, v42;
	v3 =	vld.idx.msk [tilespmem:v36+s2+$0x0], $0xffff;
	[tilespmem:$0x3E50] =	vst v2  }
0x15e: {  	v55 =	vadd.s32 $0xFC0, v42;
	v6 =	vld.idx.msk [tilespmem:v38+s2+$0x0], $0xffff;
	[tilespmem:$0x3BE0] =	vst v44  }
0x15f: {  	v56 =	vadd.s32 $0x13B0, v42;
	v57 =	vld.idx.msk [tilespmem:v42+s2+$0x0], $0xffff;
	[tilespmem:$0x3D60] =	vst v47  }
0x160: {  	v59 =	vadd.s32 $0x1B90, v42;
	v5 =	vld.idx.msk [tilespmem:v49+s2+$0x0], $0xffff;
	[tilespmem:$0x3DE0] =	vst v48  }
0x161: {  	v58 =	vadd.s32 $0x17A0, v42;
	v10 =	vld.idx.msk [tilespmem:v51+s2+$0x0], $0xffff;
	[tilespmem:$0x3E60] =	vst v50  }
0x162: {  	v60 =	vld.idx.msk [tilespmem:v53+s2+$0x0], $0xffff;
	[tilespmem:$0x3EE0] =	vst v52  }
0x163: {  	v61 =	vld.idx.msk [tilespmem:v55+s2+$0x0], $0xffff;
	[tilespmem:$0x3F60] =	vst v54  }
0x164: {  	v62 =	vld.idx.msk [tilespmem:v56+s2+$0x0], $0xffff;
	[tilespmem:$0x3C60] =	vst v3  }
0x165: {  	v63 =	vld.idx.msk [tilespmem:v59+s2+$0x0], $0xffff;
	[tilespmem:$0x3CE0] =	vst v6  }
0x166: {  	v3 =	vld.idx.msk [tilespmem:v58+s2+$0x0], $0xffff;
	[tilespmem:$0x3BF0] =	vst v57  }
0x167: {  	[tilespmem:$0x3C70] =	vst v5  }
0x168: {  	[tilespmem:$0x3CF0] =	vst v10  }
0x169: {  	[tilespmem:$0x3D70] =	vst v60  }
0x16a: {  	[tilespmem:$0x3DF0] =	vst v61  }
0x16b: {  	[tilespmem:$0x3E70] =	vst v62  }
0x16c: {  	[tilespmem:$0x3F70] =	vst v63  }
0x16d: {  	[tilespmem:$0x3EF0] =	vst v3  }
0x16e: {  	_ =	swait.ge [sflag:s8], $0x400  }
0x16f: {  	[sflag:s8] =	ssyncset.done $0x0  }
0x170: {  	[sflag:s8] =	ssyncadd.s32 $0xFFFFFC00  }
0x171: {  	p0 =	seq.s32 s18, $0xE00;
	_ =	swait.ge [sflag:s9], $0x400  }
.Ltmp4:
0x172: {  	[sflag:s9] =	ssyncset.done $0x0;
	(pc) =	sbr.rel @p0 .LBB2_4-.Ltmp4, $4  }
0x173: {  	s31 =	sadd.s32 $0x100, s19;
	[sflag:s9] =	ssyncadd.s32 $0xFFFFFC00  }
0x174: {  	[hbm4b:s31+s2] =	stream.linear.scatter [tilespmem:s12], [sflag:$0x3], $0x400, $0x38;
	[tilespmem:$0x3F80] =	vst v63  }
0x175: {  	s19 =	sadd.s32 $0x180, s19  }
0x176: {  	[hbm4b:s19+s2] =	stream.linear.scatter [tilespmem:s13], [sflag:$0x4], $0x400, $0x38;
	[tilespmem:$0x3F80] =	vst v63  }
0x177: {  	v0 =	vld [tilespmem:s17+$0x80]  }
0x178: {  	v7 =	vld [tilespmem:s17+$0x90];
	_ =	sdelay $0x3  }
0x179: {  	v15 =	vld [tilespmem:s17+$0xA0];
	v1 =	vadd.s32 $0x3F0, v0  }
0x17a: {  	v18 =	vld [tilespmem:s17+$0xB0];
	v2 =	vadd.s32 $0x7E0, v0  }
0x17b: {  	v63 =	vld [tilespmem:s17+$0xC0];
	v3 =	vadd.s32 $0xBD0, v0  }
0x17c: {  	v4 =	vadd.s32 $0xFC0, v0;
	v5 =	vld.idx.msk [tilespmem:v0+s2+$0x0], $0xffff  }
0x17d: {  	v6 =	vadd.s32 $0x13B0, v0;
	v13 =	vld.idx.msk [tilespmem:v7+s2+$0x0], $0xffff  }
0x17e: {  	v8 =	vadd.s32 $0x17A0, v0;
	v1 =	vld.idx.msk [tilespmem:v1+s2+$0x0], $0xffff  }
0x17f: {  	v9 =	vadd.s32 $0x3F0, v7;
	v2 =	vld.idx.msk [tilespmem:v2+s2+$0x0], $0xffff  }
0x180: {  	v10 =	vadd.s32 $0x7E0, v7;
	v3 =	vld.idx.msk [tilespmem:v3+s2+$0x0], $0xffff  }
0x181: {  	v11 =	vadd.s32 $0xBD0, v7;
	v4 =	vld.idx.msk [tilespmem:v4+s2+$0x0], $0xffff  }
0x182: {  	v12 =	vadd.s32 $0xFC0, v7;
	v6 =	vld.idx.msk [tilespmem:v6+s2+$0x0], $0xffff  }
0x183: {  	v14 =	vadd.s32 $0x13B0, v7;
	v8 =	vld.idx.msk [tilespmem:v8+s2+$0x0], $0xffff  }
0x184: {  	v16 =	vadd.s32 $0x17A0, v7;
	v9 =	vld.idx.msk [tilespmem:v9+s2+$0x0], $0xffff  }
0x185: {  	v0 =	vadd.s32 $0x1B90, v0;
	v10 =	vld.idx.msk [tilespmem:v10+s2+$0x0], $0xffff  }
0x186: {  	v7 =	vadd.s32 $0x1B90, v7;
	v11 =	vld.idx.msk [tilespmem:v11+s2+$0x0], $0xffff  }
0x187: {  	v12 =	vld.idx.msk [tilespmem:v12+s2+$0x0], $0xffff  }
0x188: {  	v45 =	vld.idx.msk [tilespmem:v14+s2+$0x0], $0xffff  }
0x189: {  	v47 =	vld.idx.msk [tilespmem:v16+s2+$0x0], $0xffff  }
0x18a: {  	v46 =	vadd.s32 $0x3F0, v15;
	v0 =	vld.idx.msk [tilespmem:v0+s2+$0x0], $0xffff;
	[tilespmem:$0x2F80] =	vst v5  }
0x18b: {  	v48 =	vadd.s32 $0x7E0, v15;
	v49 =	vld.idx.msk [tilespmem:v7+s2+$0x0], $0xffff;
	[tilespmem:$0x2F90] =	vst v13  }
0x18c: {  	v29 =	vld [tilespmem:s17+$0xD0];
	v50 =	vadd.s32 $0xBD0, v15;
	[tilespmem:$0x3000] =	vst v1  }
0x18d: {  	v20 =	vadd.s32 $0x17A0, v18;
	v17 =	vld.idx.msk [tilespmem:v15+s2+$0x0], $0xffff;
	[tilespmem:$0x3080] =	vst v2  }
0x18e: {  	v57 =	vadd.s32 $0x3F0, v18;
	v61 =	vld.idx.msk [tilespmem:v18+s2+$0x0], $0xffff;
	[tilespmem:$0x3100] =	vst v3  }
0x18f: {  	v62 =	vadd.s32 $0x13B0, v18;
	v14 =	vld.idx.msk [tilespmem:v46+s2+$0x0], $0xffff;
	[tilespmem:$0x3180] =	vst v4  }
0x190: {  	v51 =	vadd.s32 $0xFC0, v15;
	v55 =	vld.idx.msk [tilespmem:v48+s2+$0x0], $0xffff;
	[tilespmem:$0x3200] =	vst v6  }
0x191: {  	v52 =	vadd.s32 $0x13B0, v15;
	v56 =	vld.idx.msk [tilespmem:v50+s2+$0x0], $0xffff;
	[tilespmem:$0x3280] =	vst v8  }
0x192: {  	v53 =	vadd.s32 $0x17A0, v15;
	v23 =	vld.idx.msk [tilespmem:v20+s2+$0x0], $0xffff;
	[tilespmem:$0x3010] =	vst v9  }
0x193: {  	v54 =	vadd.s32 $0x1B90, v15;
	v7 =	vld.idx.msk [tilespmem:v57+s2+$0x0], $0xffff;
	[tilespmem:$0x3090] =	vst v10  }
0x194: {  	v58 =	vadd.s32 $0x7E0, v18;
	v5 =	vld.idx.msk [tilespmem:v62+s2+$0x0], $0xffff;
	[tilespmem:$0x3110] =	vst v11  }
0x195: {  	v59 =	vadd.s32 $0xBD0, v18;
	v3 =	vld.idx.msk [tilespmem:v51+s2+$0x0], $0xffff;
	[tilespmem:$0x3190] =	vst v12  }
0x196: {  	v60 =	vadd.s32 $0xFC0, v18;
	v4 =	vld.idx.msk [tilespmem:v52+s2+$0x0], $0xffff;
	[tilespmem:$0x3210] =	vst v45  }
0x197: {  	v21 =	vadd.s32 $0x1B90, v18;
	v6 =	vld.idx.msk [tilespmem:v53+s2+$0x0], $0xffff;
	[tilespmem:$0x3290] =	vst v47  }
0x198: {  	v8 =	vld.idx.msk [tilespmem:v54+s2+$0x0], $0xffff;
	[tilespmem:$0x2FA0] =	vst v17  }
0x199: {  	v9 =	vld.idx.msk [tilespmem:v58+s2+$0x0], $0xffff;
	[tilespmem:$0x3020] =	vst v14  }
0x19a: {  	v10 =	vld.idx.msk [tilespmem:v59+s2+$0x0], $0xffff;
	[tilespmem:$0x30A0] =	vst v55  }
0x19b: {  	v11 =	vld.idx.msk [tilespmem:v60+s2+$0x0], $0xffff;
	[tilespmem:$0x3120] =	vst v56  }
0x19c: {  	v31 =	vadd.s32 $0x1B90, v63;
	v2 =	vld.idx.msk [tilespmem:v21+s2+$0x0], $0xffff;
	[tilespmem:$0x2FB0] =	vst v61  }
0x19d: {  	v35 =	vadd.s32 $0xBD0, v29;
	[tilespmem:$0x32B0] =	vst v23  }
0x19e: {  	v39 =	vld [tilespmem:s17+$0xE0];
	v40 =	vadd.s32 $0x17A0, v29;
	[tilespmem:$0x3300] =	vst v0  }
0x19f: {  	v41 =	vadd.s32 $0x1B90, v29;
	v27 =	vld.idx.msk [tilespmem:v63+s2+$0x0], $0xffff;
	[tilespmem:$0x3310] =	vst v49  }
0x1a0: {  	v22 =	vadd.s32 $0x3F0, v63;
	v37 =	vld.idx.msk [tilespmem:v29+s2+$0x0], $0xffff;
	[tilespmem:$0x3030] =	vst v7  }
0x1a1: {  	v24 =	vadd.s32 $0x7E0, v63;
	v34 =	vld.idx.msk [tilespmem:v31+s2+$0x0], $0xffff;
	[tilespmem:$0x3230] =	vst v5  }
0x1a2: {  	v25 =	vadd.s32 $0xBD0, v63;
	v42 =	vld.idx.msk [tilespmem:v35+s2+$0x0], $0xffff;
	[tilespmem:$0x31A0] =	vst v3  }
0x1a3: {  	v26 =	vadd.s32 $0xFC0, v63;
	v44 =	vld.idx.msk [tilespmem:v40+s2+$0x0], $0xffff;
	[tilespmem:$0x3220] =	vst v4  }
0x1a4: {  	v28 =	vadd.s32 $0x13B0, v63;
	v46 =	vld.idx.msk [tilespmem:v41+s2+$0x0], $0xffff;
	[tilespmem:$0x32A0] =	vst v6  }
0x1a5: {  	v30 =	vadd.s32 $0x17A0, v63;
	v14 =	vld.idx.msk [tilespmem:v22+s2+$0x0], $0xffff;
	[tilespmem:$0x3320] =	vst v8  }
0x1a6: {  	v32 =	vadd.s32 $0x3F0, v29;
	v1 =	vld.idx.msk [tilespmem:v24+s2+$0x0], $0xffff;
	[tilespmem:$0x30B0] =	vst v9  }
0x1a7: {  	v36 =	vadd.s32 $0xFC0, v29;
	v3 =	vld.idx.msk [tilespmem:v25+s2+$0x0], $0xffff;
	[tilespmem:$0x3130] =	vst v10  }
0x1a8: {  	v33 =	vadd.s32 $0x7E0, v29;
	v4 =	vld.idx.msk [tilespmem:v26+s2+$0x0], $0xffff;
	[tilespmem:$0x31B0] =	vst v11  }
0x1a9: {  	v38 =	vadd.s32 $0x13B0, v29;
	v6 =	vld.idx.msk [tilespmem:v28+s2+$0x0], $0xffff;
	[tilespmem:$0x3330] =	vst v2  }
0x1aa: {  	v8 =	vld.idx.msk [tilespmem:v30+s2+$0x0], $0xffff;
	[tilespmem:$0x2FC0] =	vst v27  }
0x1ab: {  	v7 =	vld.idx.msk [tilespmem:v32+s2+$0x0], $0xffff;
	[tilespmem:$0x3040] =	vst v14  }
0x1ac: {  	v0 =	vld.idx.msk [tilespmem:v36+s2+$0x0], $0xffff;
	[tilespmem:$0x30C0] =	vst v1  }
0x1ad: {  	v9 =	vld.idx.msk [tilespmem:v33+s2+$0x0], $0xffff;
	[tilespmem:$0x3340] =	vst v34  }
0x1ae: {  	v2 =	vld.idx.msk [tilespmem:v38+s2+$0x0], $0xffff;
	[tilespmem:$0x2FD0] =	vst v37  }
0x1af: {  	v48 =	vadd.s32 $0xFC0, v39;
	[tilespmem:$0x3150] =	vst v42  }
0x1b0: {  	v50 =	vadd.s32 $0x13B0, v39;
	[tilespmem:$0x32D0] =	vst v44  }
0x1b1: {  	v47 =	vadd.s32 $0xBD0, v39;
	[tilespmem:$0x3350] =	vst v46  }
0x1b2: {  	v52 =	vadd.s32 $0x17A0, v39;
	v49 =	vld [tilespmem:s17+$0xF0];
	[tilespmem:$0x3050] =	vst v7  }
0x1b3: {  	v51 =	vld.idx.msk [tilespmem:v39+s2+$0x0], $0xffff;
	v53 =	vadd.s32 $0x1B90, v39;
	[tilespmem:$0x31D0] =	vst v0  }
0x1b4: {  	v43 =	vadd.s32 $0x3F0, v39;
	v55 =	vld.idx.msk [tilespmem:v48+s2+$0x0], $0xffff;
	[tilespmem:$0x3140] =	vst v3  }
0x1b5: {  	v45 =	vadd.s32 $0x7E0, v39;
	v57 =	vld.idx.msk [tilespmem:v50+s2+$0x0], $0xffff;
	[tilespmem:$0x31C0] =	vst v4  }
0x1b6: {  	v54 =	vld.idx.msk [tilespmem:v47+s2+$0x0], $0xffff;
	[tilespmem:$0x3240] =	vst v6  }
0x1b7: {  	v59 =	vld.idx.msk [tilespmem:v52+s2+$0x0], $0xffff;
	v56 =	vadd.s32 $0x3F0, v49;
	[tilespmem:$0x32C0] =	vst v8  }
0x1b8: {  	v61 =	vld.idx.msk [tilespmem:v53+s2+$0x0], $0xffff;
	v58 =	vadd.s32 $0x7E0, v49;
	[tilespmem:$0x30D0] =	vst v9  }
0x1b9: {  	v60 =	vadd.s32 $0xBD0, v49;
	v3 =	vld.idx.msk [tilespmem:v43+s2+$0x0], $0xffff;
	[tilespmem:$0x3250] =	vst v2  }
0x1ba: {  	v62 =	vadd.s32 $0xFC0, v49;
	v6 =	vld.idx.msk [tilespmem:v45+s2+$0x0], $0xffff;
	[tilespmem:$0x2FE0] =	vst v51  }
0x1bb: {  	v63 =	vadd.s32 $0x13B0, v49;
	[tilespmem:$0x3160] =	vst v54;
	v16 =	vld.idx.msk [tilespmem:v49+s2+$0x0], $0xffff  }
0x1bc: {  	v18 =	vadd.s32 $0x1B90, v49;
	[tilespmem:$0x31E0] =	vst v55;
	v5 =	vld.idx.msk [tilespmem:v56+s2+$0x0], $0xffff  }
0x1bd: {  	v17 =	vadd.s32 $0x17A0, v49;
	[tilespmem:$0x3260] =	vst v57;
	v10 =	vld.idx.msk [tilespmem:v58+s2+$0x0], $0xffff  }
0x1be: {  	[tilespmem:$0x32E0] =	vst v59;
	v19 =	vld.idx.msk [tilespmem:v60+s2+$0x0], $0xffff  }
0x1bf: {  	[tilespmem:$0x3360] =	vst v61;
	v20 =	vld.idx.msk [tilespmem:v62+s2+$0x0], $0xffff  }
0x1c0: {  	v21 =	vld.idx.msk [tilespmem:v63+s2+$0x0], $0xffff;
	[tilespmem:$0x3060] =	vst v3  }
0x1c1: {  	v22 =	vld.idx.msk [tilespmem:v18+s2+$0x0], $0xffff;
	[tilespmem:$0x30E0] =	vst v6  }
0x1c2: {  	v3 =	vld.idx.msk [tilespmem:v17+s2+$0x0], $0xffff;
	[tilespmem:$0x2FF0] =	vst v16  }
0x1c3: {  	[tilespmem:$0x3070] =	vst v5  }
0x1c4: {  	[tilespmem:$0x30F0] =	vst v10  }
0x1c5: {  	[tilespmem:$0x3170] =	vst v19  }
0x1c6: {  	[tilespmem:$0x31F0] =	vst v20  }
0x1c7: {  	[tilespmem:$0x3270] =	vst v21  }
0x1c8: {  	[tilespmem:$0x3370] =	vst v22  }
0x1c9: {  	[tilespmem:$0x32F0] =	vst v3  }
0x1ca: {  	v0 =	vld [tilespmem:s17+$0x100]  }
0x1cb: {  	v28 =	vld [tilespmem:s17+$0x110];
	_ =	sdelay $0x3  }
0x1cc: {  	v23 =	vadd.s32 $0x3F0, v0  }
0x1cd: {  	v15 =	vld [tilespmem:s17+$0x120];
	v24 =	vadd.s32 $0x7E0, v0  }
0x1ce: {  	v45 =	vld [tilespmem:s17+$0x130];
	v25 =	vadd.s32 $0xBD0, v0  }
0x1cf: {  	v26 =	vadd.s32 $0xFC0, v0;
	v5 =	vld.idx.msk [tilespmem:v0+s2+$0x0], $0xffff  }
0x1d0: {  	v27 =	vadd.s32 $0x13B0, v0;
	v34 =	vld.idx.msk [tilespmem:v28+s2+$0x0], $0xffff  }
0x1d1: {  	v29 =	vadd.s32 $0x17A0, v0;
	v1 =	vld.idx.msk [tilespmem:v23+s2+$0x0], $0xffff  }
0x1d2: {  	v30 =	vadd.s32 $0x3F0, v28;
	v2 =	vld.idx.msk [tilespmem:v24+s2+$0x0], $0xffff  }
0x1d3: {  	v31 =	vadd.s32 $0x7E0, v28;
	v3 =	vld.idx.msk [tilespmem:v25+s2+$0x0], $0xffff  }
0x1d4: {  	v32 =	vadd.s32 $0xBD0, v28;
	v4 =	vld.idx.msk [tilespmem:v26+s2+$0x0], $0xffff  }
0x1d5: {  	v33 =	vadd.s32 $0xFC0, v28;
	v6 =	vld.idx.msk [tilespmem:v27+s2+$0x0], $0xffff  }
0x1d6: {  	v35 =	vadd.s32 $0x13B0, v28;
	v8 =	vld.idx.msk [tilespmem:v29+s2+$0x0], $0xffff  }
0x1d7: {  	v36 =	vadd.s32 $0x17A0, v28;
	v9 =	vld.idx.msk [tilespmem:v30+s2+$0x0], $0xffff  }
0x1d8: {  	v0 =	vadd.s32 $0x1B90, v0;
	v10 =	vld.idx.msk [tilespmem:v31+s2+$0x0], $0xffff  }
0x1d9: {  	v7 =	vadd.s32 $0x1B90, v28;
	v11 =	vld.idx.msk [tilespmem:v32+s2+$0x0], $0xffff  }
0x1da: {  	v12 =	vld.idx.msk [tilespmem:v33+s2+$0x0], $0xffff  }
0x1db: {  	v37 =	vld.idx.msk [tilespmem:v35+s2+$0x0], $0xffff  }
0x1dc: {  	v39 =	vld.idx.msk [tilespmem:v36+s2+$0x0], $0xffff  }
0x1dd: {  	v0 =	vld.idx.msk [tilespmem:v0+s2+$0x0], $0xffff;
	[tilespmem:$0x3380] =	vst v5  }
0x1de: {  	v38 =	vadd.s32 $0x3F0, v15;
	v41 =	vld.idx.msk [tilespmem:v7+s2+$0x0], $0xffff;
	[tilespmem:$0x3390] =	vst v34  }
0x1df: {  	v56 =	vld [tilespmem:s17+$0x140];
	v40 =	vadd.s32 $0x7E0, v15;
	[tilespmem:$0x3400] =	vst v1  }
0x1e0: {  	v22 =	vld [tilespmem:s17+$0x150];
	v42 =	vadd.s32 $0xBD0, v15;
	[tilespmem:$0x3480] =	vst v2  }
0x1e1: {  	v50 =	vadd.s32 $0x3F0, v45;
	v17 =	vld.idx.msk [tilespmem:v15+s2+$0x0], $0xffff;
	[tilespmem:$0x3500] =	vst v3  }
0x1e2: {  	v57 =	vadd.s32 $0x17A0, v45;
	v54 =	vld.idx.msk [tilespmem:v45+s2+$0x0], $0xffff;
	[tilespmem:$0x3580] =	vst v4  }
0x1e3: {  	v55 =	vadd.s32 $0x13B0, v45;
	v14 =	vld.idx.msk [tilespmem:v38+s2+$0x0], $0xffff;
	[tilespmem:$0x3600] =	vst v6  }
0x1e4: {  	v43 =	vadd.s32 $0xFC0, v15;
	v48 =	vld.idx.msk [tilespmem:v40+s2+$0x0], $0xffff;
	[tilespmem:$0x3680] =	vst v8  }
0x1e5: {  	v44 =	vadd.s32 $0x13B0, v15;
	v49 =	vld.idx.msk [tilespmem:v42+s2+$0x0], $0xffff;
	[tilespmem:$0x3410] =	vst v9  }
0x1e6: {  	v46 =	vadd.s32 $0x17A0, v15;
	v7 =	vld.idx.msk [tilespmem:v50+s2+$0x0], $0xffff;
	[tilespmem:$0x3490] =	vst v10  }
0x1e7: {  	v47 =	vadd.s32 $0x1B90, v15;
	v60 =	vld.idx.msk [tilespmem:v57+s2+$0x0], $0xffff;
	[tilespmem:$0x3510] =	vst v11  }
0x1e8: {  	v51 =	vadd.s32 $0x7E0, v45;
	v5 =	vld.idx.msk [tilespmem:v55+s2+$0x0], $0xffff;
	[tilespmem:$0x3590] =	vst v12  }
0x1e9: {  	v52 =	vadd.s32 $0xBD0, v45;
	v3 =	vld.idx.msk [tilespmem:v43+s2+$0x0], $0xffff;
	[tilespmem:$0x3610] =	vst v37  }
0x1ea: {  	v53 =	vadd.s32 $0xFC0, v45;
	v4 =	vld.idx.msk [tilespmem:v44+s2+$0x0], $0xffff;
	[tilespmem:$0x3690] =	vst v39  }
0x1eb: {  	v58 =	vadd.s32 $0x1B90, v45;
	v6 =	vld.idx.msk [tilespmem:v46+s2+$0x0], $0xffff;
	[tilespmem:$0x3710] =	vst v41  }
0x1ec: {  	v8 =	vld.idx.msk [tilespmem:v47+s2+$0x0], $0xffff;
	[tilespmem:$0x33A0] =	vst v17  }
0x1ed: {  	v9 =	vld.idx.msk [tilespmem:v51+s2+$0x0], $0xffff;
	[tilespmem:$0x3420] =	vst v14  }
0x1ee: {  	v10 =	vld.idx.msk [tilespmem:v52+s2+$0x0], $0xffff;
	[tilespmem:$0x34A0] =	vst v48  }
0x1ef: {  	v28 =	vadd.s32 $0xBD0, v22;
	v11 =	vld.idx.msk [tilespmem:v53+s2+$0x0], $0xffff;
	[tilespmem:$0x3520] =	vst v49  }
0x1f0: {  	v59 =	vadd.s32 $0x3F0, v56;
	v2 =	vld.idx.msk [tilespmem:v58+s2+$0x0], $0xffff;
	[tilespmem:$0x33B0] =	vst v54  }
0x1f1: {  	v61 =	vadd.s32 $0x7E0, v56;
	v20 =	vld.idx.msk [tilespmem:v56+s2+$0x0], $0xffff;
	[tilespmem:$0x3430] =	vst v7  }
0x1f2: {  	v24 =	vadd.s32 $0x1B90, v56;
	v30 =	vld.idx.msk [tilespmem:v22+s2+$0x0], $0xffff;
	[tilespmem:$0x36B0] =	vst v60  }
0x1f3: {  	v25 =	vadd.s32 $0x3F0, v22;
	v32 =	vld [tilespmem:s17+$0x160];
	[tilespmem:$0x3700] =	vst v0  }
0x1f4: {  	v33 =	vadd.s32 $0x17A0, v22;
	v35 =	vld.idx.msk [tilespmem:v28+s2+$0x0], $0xffff;
	[tilespmem:$0x3630] =	vst v5  }
0x1f5: {  	v62 =	vadd.s32 $0xBD0, v56;
	v14 =	vld.idx.msk [tilespmem:v59+s2+$0x0], $0xffff;
	[tilespmem:$0x35A0] =	vst v3  }
0x1f6: {  	v63 =	vadd.s32 $0xFC0, v56;
	v1 =	vld.idx.msk [tilespmem:v61+s2+$0x0], $0xffff;
	[tilespmem:$0x3620] =	vst v4  }
0x1f7: {  	v21 =	vadd.s32 $0x13B0, v56;
	v27 =	vld.idx.msk [tilespmem:v24+s2+$0x0], $0xffff;
	[tilespmem:$0x36A0] =	vst v6  }
0x1f8: {  	v23 =	vadd.s32 $0x17A0, v56;
	v7 =	vld.idx.msk [tilespmem:v25+s2+$0x0], $0xffff;
	[tilespmem:$0x3720] =	vst v8  }
0x1f9: {  	v29 =	vadd.s32 $0xFC0, v22;
	v37 =	vld.idx.msk [tilespmem:v33+s2+$0x0], $0xffff;
	[tilespmem:$0x34B0] =	vst v9  }
0x1fa: {  	v34 =	vadd.s32 $0x1B90, v22;
	v3 =	vld.idx.msk [tilespmem:v62+s2+$0x0], $0xffff;
	[tilespmem:$0x3530] =	vst v10  }
0x1fb: {  	v26 =	vadd.s32 $0x7E0, v22;
	v4 =	vld.idx.msk [tilespmem:v63+s2+$0x0], $0xffff;
	[tilespmem:$0x35B0] =	vst v11  }
0x1fc: {  	v31 =	vadd.s32 $0x13B0, v22;
	v6 =	vld.idx.msk [tilespmem:v21+s2+$0x0], $0xffff;
	[tilespmem:$0x3730] =	vst v2  }
0x1fd: {  	v8 =	vld.idx.msk [tilespmem:v23+s2+$0x0], $0xffff;
	[tilespmem:$0x33C0] =	vst v20  }
0x1fe: {  	v0 =	vld.idx.msk [tilespmem:v29+s2+$0x0], $0xffff;
	[tilespmem:$0x3440] =	vst v14  }
0x1ff: {  	v39 =	vld.idx.msk [tilespmem:v34+s2+$0x0], $0xffff;
	[tilespmem:$0x34C0] =	vst v1  }
0x200: {  	v9 =	vld.idx.msk [tilespmem:v26+s2+$0x0], $0xffff;
	[tilespmem:$0x3740] =	vst v27  }
0x201: {  	v2 =	vld.idx.msk [tilespmem:v31+s2+$0x0], $0xffff;
	[tilespmem:$0x33D0] =	vst v30  }
0x202: {  	v40 =	vadd.s32 $0xBD0, v32;
	[tilespmem:$0x3450] =	vst v7  }
0x203: {  	v41 =	vadd.s32 $0xFC0, v32;
	[tilespmem:$0x3550] =	vst v35  }
0x204: {  	v43 =	vadd.s32 $0x13B0, v32;
	[tilespmem:$0x36D0] =	vst v37  }
0x205: {  	v42 =	vld [tilespmem:s17+$0x170];
	v45 =	vadd.s32 $0x17A0, v32;
	[tilespmem:$0x35D0] =	vst v0  }
0x206: {  	v46 =	vadd.s32 $0x1B90, v32;
	v44 =	vld.idx.msk [tilespmem:v32+s2+$0x0], $0xffff;
	[tilespmem:$0x3750] =	vst v39  }
0x207: {  	v36 =	vadd.s32 $0x3F0, v32;
	v47 =	vld.idx.msk [tilespmem:v40+s2+$0x0], $0xffff;
	[tilespmem:$0x3540] =	vst v3  }
0x208: {  	v38 =	vadd.s32 $0x7E0, v32;
	v48 =	vld.idx.msk [tilespmem:v41+s2+$0x0], $0xffff;
	[tilespmem:$0x35C0] =	vst v4  }
0x209: {  	v50 =	vld.idx.msk [tilespmem:v43+s2+$0x0], $0xffff;
	[tilespmem:$0x3640] =	vst v6  }
0x20a: {  	v49 =	vadd.s32 $0x3F0, v42;
	v52 =	vld.idx.msk [tilespmem:v45+s2+$0x0], $0xffff;
	[tilespmem:$0x36C0] =	vst v8  }
0x20b: {  	v51 =	vadd.s32 $0x7E0, v42;
	v54 =	vld.idx.msk [tilespmem:v46+s2+$0x0], $0xffff;
	[tilespmem:$0x34D0] =	vst v9  }
0x20c: {  	v53 =	vadd.s32 $0xBD0, v42;
	v3 =	vld.idx.msk [tilespmem:v36+s2+$0x0], $0xffff;
	[tilespmem:$0x3650] =	vst v2  }
0x20d: {  	v55 =	vadd.s32 $0xFC0, v42;
	v6 =	vld.idx.msk [tilespmem:v38+s2+$0x0], $0xffff;
	[tilespmem:$0x33E0] =	vst v44  }
0x20e: {  	v56 =	vadd.s32 $0x13B0, v42;
	v57 =	vld.idx.msk [tilespmem:v42+s2+$0x0], $0xffff;
	[tilespmem:$0x3560] =	vst v47  }
0x20f: {  	v59 =	vadd.s32 $0x1B90, v42;
	v5 =	vld.idx.msk [tilespmem:v49+s2+$0x0], $0xffff;
	[tilespmem:$0x35E0] =	vst v48  }
0x210: {  	v58 =	vadd.s32 $0x17A0, v42;
	v10 =	vld.idx.msk [tilespmem:v51+s2+$0x0], $0xffff;
	[tilespmem:$0x3660] =	vst v50  }
0x211: {  	v60 =	vld.idx.msk [tilespmem:v53+s2+$0x0], $0xffff;
	[tilespmem:$0x36E0] =	vst v52  }
0x212: {  	v61 =	vld.idx.msk [tilespmem:v55+s2+$0x0], $0xffff;
	[tilespmem:$0x3760] =	vst v54  }
0x213: {  	v62 =	vld.idx.msk [tilespmem:v56+s2+$0x0], $0xffff;
	[tilespmem:$0x3460] =	vst v3  }
0x214: {  	v63 =	vld.idx.msk [tilespmem:v59+s2+$0x0], $0xffff;
	[tilespmem:$0x34E0] =	vst v6  }
0x215: {  	v3 =	vld.idx.msk [tilespmem:v58+s2+$0x0], $0xffff;
	[tilespmem:$0x33F0] =	vst v57  }
0x216: {  	[tilespmem:$0x3470] =	vst v5  }
0x217: {  	[tilespmem:$0x34F0] =	vst v10  }
.Ltmp5:
0x218: {  	[tilespmem:$0x3570] =	vst v60;
	(pc) =	sbr.rel .LBB2_4-.Ltmp5, $4  }
0x219: {  	[tilespmem:$0x35F0] =	vst v61  }
0x21a: {  	[tilespmem:$0x3670] =	vst v62  }
0x21b: {  	[tilespmem:$0x3770] =	vst v63  }
0x21c: {  	[tilespmem:$0x36F0] =	vst v3  }
.LBB2_6:
0x21d: {  	_ =	sfence.sel $0x180000  }
0x21e: {  	[bflag:$0x0] =	sbarrier.arrive $0xFFFF  }
0x21f: {  	p0 =	sne.s32 s0, $0x0;
	_ =	strace $0x90000047  }
0x220: {  	s0 =	sadd.s32 @!p0 $0x100000, s1;
	[bflag:$0x2] =	sbarrier.arrive $0xFFFF  }
0x221: {  	[sflag:s0] =	ssyncadd.tile.s32 @!p0 $0x1;
	_ =	shalt  }
.Lfunc_end2:
_tile_overlayer_lowered:
.L_overlay_start_2:
0x222: {  	(tag) =	ssettag $0x2  }
0x223: {  	s0 =	rddreg [dreg:$0x0];
	s2 =	stileid.u32  }
0x224: {  	s1 =	rddreg [dreg:$0x1];
	p0 =	sne.s32 s2, $0x0  }
0x225: {  	s3 =	rddreg [dreg:$0x2];
	[bflag:$0x3] =	sbarrier.arrive $0xFFFF;
	s2 =	simm.s32 @!p0 $0x1C05  }
0x226: {  	[timem:s3], [sflag:s2] =	dma.local @!p0 [hbm:s0], s1  }
0x227: {  	s0 =	simm.s32 @!p0 $0x5  }
0x228: {  	_ =	swait.ge @!p0 [sflag:s0], s1  }
0x229: {  	s1 =	ssub.s32 @!p0 $0x0, s1;
	[sflag:s0] =	ssyncset.done @!p0 $0x0  }
0x22a: {  	[sflag:s0] =	ssyncadd.s32 @!p0 s1  }
0x22b: {  	[bflag:$0x3] =	sbarrier.arrive $0xFFFF  }
0x22c: {  	_ =	shalt  }

</sc_bundles>
